<compile_context>
chip_gen: v7x
topology: tpu7x:2x2x1
jax: 0.10.2.dev20260603
libtpu: 0.0.44.dev20260713+nightly
codegen_flags: <defaults>
</compile_context>

<pallas_src>
import functools

import jax
import jax.numpy as jnp
from jax import lax
from jax.experimental import pallas as pl
from jax.experimental.pallas import tpu as pltpu
from jax.experimental.pallas import tpu_sc as plsc

N = 10000
E = 320000
H = 128


_BN = 2000
_BE = 10000


def _dot(a, b):
    return jnp.dot(a, b, preferred_element_type=jnp.float32)


def _dot16(a, b):
    return jnp.dot(a.astype(jnp.bfloat16), b.astype(jnp.bfloat16),
                   preferred_element_type=jnp.float32)


def _ln(h2, g, beta):
    mu = jnp.mean(h2, axis=-1, keepdims=True)
    var = jnp.mean((h2 - mu) ** 2, axis=-1, keepdims=True)
    return (h2 - mu) * lax.rsqrt(var + 1e-5) * g + beta


def _mlp_ln_tail(h1_pre, w2, b2, g, beta):
    h = jnp.maximum(h1_pre, 0.0)
    return _ln(_dot(h, w2) + b2, g, beta)


def _enc_body(x_ref, w1, b1, w2, b2, g, beta, o_ref):
    h = jnp.maximum(_dot(x_ref[...], w1[...]) + b1[...], 0.0)
    o_ref[...] = _ln(_dot16(h, w2[...]) + b2[...], g[...], beta[...])


def _pre_body(xn_ref, w1a, w1b, b1, a_ref, b_ref):
    xn = xn_ref[...]
    a_ref[...] = _dot(xn, w1a[...]) + b1[...]
    b_ref[...] = _dot(xn, w1b[...])


def _edge_body(gi_ref, gj_ref, xe_ref, w1c, w2, b2, g, beta, o_ref):
    xe = xe_ref[...]
    h1 = gi_ref[...] + gj_ref[...] + _dot16(xe, w1c[...])
    h = jnp.maximum(h1, 0.0)
    o_ref[...] = _ln(_dot16(h, w2[...]) + b2[...], g[...], beta[...]) + xe


def _node_body(p0, p1, xn_ref, wna, wnb, b1, w2, b2, g, beta, o_ref):
    xn = xn_ref[...]
    msg = (p0[0] + p0[1]) + (p1[0] + p1[1])
    h1 = _dot(msg, wna[...]) + _dot(xn, wnb[...]) + b1[...]
    o_ref[...] = _mlp_ln_tail(h1, w2[...], b2[...], g[...], beta[...]) + xn


def _dec_body(xn_ref, w1, b1, w2, b2, o_ref):
    h = jnp.maximum(_dot(xn_ref[...], w1[...]) + b1[...], 0.0)
    o_ref[...] = _dot(h, w2[...]) + b2[...]


def _full(shape):
    return pl.BlockSpec(shape, lambda i: (0,) * len(shape))


def _rows(block, ncols):
    return pl.BlockSpec((block, ncols), lambda i: (i, 0))


def _tc_call(body, grid, in_specs, out_specs, out_shape):
    return pl.pallas_call(body, grid=(grid,), in_specs=in_specs,
                          out_specs=out_specs, out_shape=out_shape)



_CH = 128
_NW = 32
_RPS = 624
_REM = N - 16 * _RPS
_ZR = 104

@functools.cache
def _mesh():
    return plsc.VectorSubcoreMesh(core_axis_name="c", subcore_axis_name="s")


_MC = 128
_NSUB = _MC // _CH
_NSLOT = 3


def _gather_pipe(tab_hbm, ix_hbm, out_hbm, idx, rows, sem_idx, sem_g, sem_st,
                 s):
    nch = ix_hbm.shape[0] // _MC
    per_w = -(-nch // 16)

    def chunk(m):
        return m * 16 + s

    def valid(m):
        return chunk(m) < nch

    def issue_idx(m, k):
        pltpu.async_copy(ix_hbm.at[pl.ds(chunk(m) * _MC, _MC)], idx.at[k],
                         sem_idx)

    for m0 in range(min(2, per_w)):
        @pl.when(valid(m0))
        def _(m0=m0):
            issue_idx(m0, m0)

    @pl.loop(0, per_w + 1)
    def _(m):
        k = m % _NSLOT
        kp = (m + _NSLOT - 1) % _NSLOT

        @pl.when((m < per_w) & valid(m))
        def _():
            @pl.when(m >= _NSLOT)
            def _():
                pltpu.make_async_copy(rows.at[k], out_hbm.at[pl.ds(0, _MC)],
                                      sem_st).wait()
            pltpu.make_async_copy(ix_hbm.at[pl.ds(0, _MC)], idx.at[k],
                                  sem_idx).wait()
            for u in range(_NSUB):
                pltpu.async_copy(tab_hbm.at[idx.at[k, pl.ds(u * _CH, _CH)]],
                                 rows.at[k, pl.ds(u * _CH, _CH)], sem_g)

        @pl.when((m >= 1) & valid(m - 1))
        def _():
            for u in range(_NSUB):
                pltpu.make_async_copy(tab_hbm.at[idx.at[kp, pl.ds(0, _CH)]],
                                      rows.at[kp, pl.ds(0, _CH)],
                                      sem_g).wait()
            pltpu.async_copy(rows.at[kp],
                             out_hbm.at[pl.ds(chunk(m - 1) * _MC, _MC)],
                             sem_st)

        @pl.when((m + 2 < per_w) & valid(m + 2))
        def _():
            issue_idx(m + 2, (m + 2) % _NSLOT)

    for q in range(max(0, per_w - _NSLOT - 1), per_w):
        undrained = valid(q)
        if q + _NSLOT < per_w:
            undrained = undrained & jnp.logical_not(valid(q + _NSLOT))

        @pl.when(undrained)
        def _(q=q):
            pltpu.make_async_copy(rows.at[q % _NSLOT],
                                  out_hbm.at[pl.ds(0, _MC)], sem_st).wait()


def _gather_body(a_hbm, b_hbm, ti_hbm, si_hbm, gi_hbm, gj_hbm,
                 idx, rows, sem_idx, sem_g, sem_st):
    c = lax.axis_index("c")
    s = lax.axis_index("s")

    @pl.when(c == 0)
    def _():
        _gather_pipe(a_hbm, ti_hbm, gi_hbm, idx, rows, sem_idx, sem_g,
                     sem_st, s)

    @pl.when(c == 1)
    def _():
        _gather_pipe(b_hbm, si_hbm, gj_hbm, idx, rows, sem_idx, sem_g,
                     sem_st, s)


@jax.jit
def _sc_gather(a, b, tgt, src):
    ne = tgt.shape[0]
    k = pl.kernel(
        _gather_body,
        out_type=(jax.ShapeDtypeStruct((ne, H), jnp.float32),
                  jax.ShapeDtypeStruct((ne, H), jnp.float32)),
        mesh=_mesh(),
        scratch_types=[
            pltpu.VMEM((_NSLOT, _MC), jnp.int32),
            pltpu.VMEM((_NSLOT, _MC, H), jnp.float32),
            pltpu.SemaphoreType.DMA,
            pltpu.SemaphoreType.DMA,
            pltpu.SemaphoreType.DMA,
        ],
    )
    return k(a, b, tgt, src)


def _scatter_pipe(ye_hbm, si_hbm, idx, rows, acc, sem_ld, sem_sc, w):
    nch = si_hbm.shape[0] // _CH
    per_w = -(-nch // _NW)

    def chunk(m):
        return m * _NW + w

    def valid(m):
        return chunk(m) < nch

    def issue_load(m, k):
        base = chunk(m) * _CH
        pltpu.async_copy(si_hbm.at[pl.ds(base, _CH)], idx.at[k], sem_ld)
        pltpu.async_copy(ye_hbm.at[pl.ds(base, _CH)], rows.at[k], sem_ld)

    @pl.when(valid(0))
    def _():
        issue_load(0, 0)

    @pl.loop(0, per_w + 1)
    def _(m):
        k = m % 2
        kp = (m + 1) % 2

        @pl.when((m < per_w) & valid(m))
        def _():
            pltpu.make_async_copy(si_hbm.at[pl.ds(0, _CH)], idx.at[k],
                                  sem_ld).wait()
            pltpu.make_async_copy(ye_hbm.at[pl.ds(0, _CH)], rows.at[k],
                                  sem_ld).wait()
            pltpu.async_copy(rows.at[k], acc.at[idx.at[k]], sem_sc, add=True)

        @pl.when((m >= 1) & valid(m - 1))
        def _():
            pltpu.make_async_copy(rows.at[kp], acc.at[pl.ds(0, _CH)],
                                  sem_sc).wait()

        @pl.when((m + 1 < per_w) & valid(m + 1))
        def _():
            issue_load(m + 1, kp)


def _scatter_body(ye0_hbm, si0_hbm, out_hbm, idx, rows,
                  zbuf, acc, sem_ld, sem_sc):
    c = lax.axis_index("c")
    s = lax.axis_index("s")
    w = s * 2 + c

    @pl.loop(0, _ZR)
    def _(r):
        @pl.loop(0, H, step=16)
        def _(l):
            zbuf[pl.ds(r, 1), pl.ds(l, 16)] = jnp.zeros((1, 16), jnp.float32)

    @pl.loop(0, _RPS, step=_ZR)
    def _(r):
        pltpu.sync_copy(zbuf, acc.at[pl.ds(s * _RPS + r, _ZR)])

    @pl.when(s == 0)
    def _():
        pltpu.sync_copy(zbuf.at[pl.ds(0, _REM)], acc.at[pl.ds(16 * _RPS, _REM)])

    plsc.subcore_barrier()

    _scatter_pipe(ye0_hbm, si0_hbm, idx, rows, acc, sem_ld, sem_sc, w)

    plsc.subcore_barrier()
    pltpu.sync_copy(acc.at[pl.ds(s * _RPS, _RPS)],
                    out_hbm.at[c, pl.ds(s * _RPS, _RPS)])

    @pl.when(s == 0)
    def _():
        pltpu.sync_copy(acc.at[pl.ds(16 * _RPS, _REM)],
                        out_hbm.at[c, pl.ds(16 * _RPS, _REM)])


@jax.jit
def _sc_scatter(ye0, src0):
    k = pl.kernel(
        _scatter_body,
        out_type=jax.ShapeDtypeStruct((2, N, H), jnp.float32),
        mesh=_mesh(),
        scratch_types=[
            pltpu.VMEM((2, _CH), jnp.int32),
            pltpu.VMEM((2, _CH, H), jnp.float32),
            pltpu.VMEM((_ZR, H), jnp.float32),
            pltpu.VMEM_SHARED((N, H), jnp.float32),
            pltpu.SemaphoreType.DMA,
            pltpu.SemaphoreType.DMA,
        ],
    )
    return k(ye0, src0)




def _b(v):
    return v.reshape(1, H)


_NP = 2
_EH = E // _NP


def _edge(g_pair, xe_h, ew, w1, eg_h, f32):
    return _tc_call(
        _edge_body, eg_h,
        [_rows(_BE, H)] * 3 + [_full((H, H)), _full((H, H)),
                               _full((1, H)), _full((1, H)), _full((1, H))],
        _rows(_BE, H), jax.ShapeDtypeStruct((_EH, H), f32),
    )(g_pair[0], g_pair[1], xe_h, w1[2 * H:], ew["l2"]["w"],
      _b(ew["l2"]["b"]), _b(ew["g"]), _b(ew["beta"]))


def kernel(x, edge_attr, edge_index, params):
    f32 = jnp.float32
    ngrid = N // _BN
    eg_h = _EH // _BE
    src = [lax.slice_in_dim(edge_index[0], h * _EH, (h + 1) * _EH)
           for h in range(_NP)]
    tgt = [lax.slice_in_dim(edge_index[1], h * _EH, (h + 1) * _EH)
           for h in range(_NP)]

    def enc(inp, p, block, grid, fin, nrows, blk_off=0):
        return _tc_call(
            _enc_body, grid,
            [pl.BlockSpec((block, fin), lambda i: (i + blk_off, 0)),
             _full((fin, H)), _full((1, H)),
             _full((H, H)), _full((1, H)), _full((1, H)), _full((1, H))],
            _rows(block, H), jax.ShapeDtypeStruct((nrows, H), f32),
        )(inp, p["l1"]["w"], _b(p["l1"]["b"]), p["l2"]["w"], _b(p["l2"]["b"]),
          _b(p["g"]), _b(p["beta"]))

    xn = enc(x, params["node_enc"], _BN, ngrid, x.shape[1], N)
    ci_e = edge_attr.shape[1]
    xe = [enc(edge_attr, params["edge_enc"], _BE, eg_h, ci_e, _EH,
              blk_off=h * eg_h) for h in range(_NP)]

    for lp in params["layers"]:
        ew = lp["edge_mlp"]
        w1 = ew["l1"]["w"]
        a_tab, b_tab = _tc_call(
            _pre_body, ngrid,
            [_rows(_BN, H), _full((H, H)), _full((H, H)), _full((1, H))],
            (_rows(_BN, H), _rows(_BN, H)),
            (jax.ShapeDtypeStruct((N, H), f32),
             jax.ShapeDtypeStruct((N, H), f32)),
        )(xn, w1[:H], w1[H:2 * H], _b(ew["l1"]["b"]))

        ye = [None] * _NP
        p_sum = [None] * _NP
        g_h = [None] * _NP
        for h in range(_NP):
            g_h[h] = _sc_gather(a_tab, b_tab, tgt[h], src[h])
            if h > 0:
                ye[h - 1] = _edge(g_h[h - 1], xe[h - 1], ew, w1, eg_h, f32)
        ye[_NP - 1] = _edge(g_h[_NP - 1], xe[_NP - 1], ew, w1, eg_h, f32)
        for h in range(_NP):
            p_sum[h] = _sc_scatter(ye[h], src[h])

        nw = lp["node_mlp"]
        wn1 = nw["l1"]["w"]
        p_spec = pl.BlockSpec((2, _BN, H), lambda i: (0, i, 0))
        xn = _tc_call(
            _node_body, ngrid,
            [p_spec, p_spec, _rows(_BN, H),
             _full((H, H)), _full((H, H)),
             _full((1, H)), _full((H, H)), _full((1, H)), _full((1, H)),
             _full((1, H))],
            _rows(_BN, H), jax.ShapeDtypeStruct((N, H), f32),
        )(p_sum[0], p_sum[1], xn, wn1[:H], wn1[H:],
          _b(nw["l1"]["b"]), nw["l2"]["w"], _b(nw["l2"]["b"]), _b(nw["g"]),
          _b(nw["beta"]))
        xe = ye

    dec = params["dec"]
    out = _tc_call(
        _dec_body, ngrid,
        [_rows(_BN, H), _full((H, H)), _full((1, H)), _full((H, H)),
         _full((1, H))],
        _rows(_BN, H), jax.ShapeDtypeStruct((N, dec["l2"]["w"].shape[1]), f32),
    )(xn, dec["l1"]["w"], _b(dec["l1"]["b"]), dec["l2"]["w"],
      _b(dec["l2"]["b"]))
    return out

# --- scband reference (transcript-rebuilt; emitter-appended) ---
"""Pipeline reference for scband-mesh-graph-net-44985487458936 (READ-ONLY COPY).

The authoritative reference and input builder live on the scoring server;
editing this copy changes nothing except your own understanding.
"""

import jax, jax.numpy as jnp
import numpy as np

N = 10000
E = 320000
CI_N = 128
CI_E = 16
H = 128
CO = 128
L = 4


def _lin(key, fin, fout):
    return {"w": jax.random.normal(key, (fin, fout), jnp.float32) * (1.0 / np.sqrt(fin)),
            "b": jnp.zeros((fout,), jnp.float32)}


def _mlp_ln_params(key, fin, h):
    k1, k2 = jax.random.split(key)
    return {"l1": _lin(k1, fin, h), "l2": _lin(k2, h, h),
            "g": jnp.ones((h,), jnp.float32), "beta": jnp.zeros((h,), jnp.float32)}


def setup_inputs(seed: int = 0):
    key = jax.random.key(seed)
    ks = jax.random.split(key, 6 + 2 * L)
    x = jax.random.normal(ks[0], (N, CI_N), jnp.float32)
    edge_attr = jax.random.normal(ks[1], (E, CI_E), jnp.float32)
    edge_index = jax.random.randint(ks[2], (2, E), 0, N, dtype=jnp.int32)
    params = {
        "node_enc": _mlp_ln_params(ks[3], CI_N, H),
        "edge_enc": _mlp_ln_params(ks[4], CI_E, H),
        "layers": [
            {"node_mlp": _mlp_ln_params(ks[5 + 2 * i], 2 * H, H),
             "edge_mlp": _mlp_ln_params(ks[6 + 2 * i], 3 * H, H)}
            for i in range(L)
        ],
        "dec": {"l1": _lin(ks[5 + 2 * L], H, H), "l2": _lin(jax.random.fold_in(key, 777), H, CO)},
    }
    return {"x": x, "edge_attr": edge_attr, "edge_index": edge_index, "params": params}


def _mlp_ln(p, h):
    h = jnp.maximum(h @ p["l1"]["w"] + p["l1"]["b"], 0.0)
    h = h @ p["l2"]["w"] + p["l2"]["b"]
    mu = jnp.mean(h, axis=-1, keepdims=True)
    var = jnp.var(h, axis=-1, keepdims=True)
    return (h - mu) / jnp.sqrt(var + 1e-5) * p["g"] + p["beta"]


def reference(x, edge_attr, edge_index, params):
    src = edge_index[0]
    tgt = edge_index[1]
    xn = _mlp_ln(params["node_enc"], x)
    xe = _mlp_ln(params["edge_enc"], edge_attr)
    for lp in params["layers"]:
        x_i = xn[tgt]  # PyG default flow source_to_target: x_i = x[edge_index[1]]
        x_j = xn[src]  # x_j = x[edge_index[0]]
        ye = _mlp_ln(lp["edge_mlp"], jnp.concatenate([x_i, x_j, xe], axis=1)) + xe
        msg = jax.ops.segment_sum(ye, src, num_segments=N)
        yn = _mlp_ln(lp["node_mlp"], jnp.concatenate([msg, xn], axis=1)) + xn
        xn, xe = yn, ye
    h = jnp.maximum(xn @ params["dec"]["l1"]["w"] + params["dec"]["l1"]["b"], 0.0)
    out = h @ params["dec"]["l2"]["w"] + params["dec"]["l2"]["b"]
    return out

if __name__ == "__main__":
    import jax
    _d = setup_inputs()
    print(jax.jit(kernel)(*tuple(_d.values())))

</pallas_src>

<mosaic_0001>
#map = affine_map<(d0, d1) -> (0, 0)>
#map1 = affine_map<(d0, d1) -> (0)>
module attributes {stable_mosaic.version = 14 : i64} {
  func.func @_gather_body(%arg0: i32, %arg1: i32, %arg2: memref<10000x128xf32, #tpu.memory_space<hbm>>, %arg3: memref<10000x128xf32, #tpu.memory_space<hbm>>, %arg4: memref<160000xi32, #tpu.memory_space<hbm>>, %arg5: memref<160000xi32, #tpu.memory_space<hbm>>, %arg6: memref<160000x128xf32, #tpu.memory_space<hbm>>, %arg7: memref<160000x128xf32, #tpu.memory_space<hbm>>, %arg8: memref<3x128xi32, #tpu.memory_space<vmem>>, %arg9: memref<3x128x128xf32, #tpu.memory_space<vmem>>, %arg10: memref<!tpu.dma_semaphore, #tpu.memory_space<semaphore_mem>>, %arg11: memref<!tpu.dma_semaphore, #tpu.memory_space<semaphore_mem>>, %arg12: memref<!tpu.dma_semaphore, #tpu.memory_space<semaphore_mem>>) attributes {dimension_semantics = [#tpu.dimension_semantics<core_parallel>, #tpu.dimension_semantics<subcore_parallel>], iteration_bounds = array<i64: 2, 16>, scalar_prefetch = 0 : i64, scratch_operands = 5 : i64, tpu.core_type = #tpu.core_type<sc_vector_subcore>, window_params = [{transform_indices = #map}, {transform_indices = #map}, {transform_indices = #map1}, {transform_indices = #map1}, {transform_indices = #map}, {transform_indices = #map}]} {
    %eq3A = arith.constant 0 : i32
    %eq3A_0 = arith.cmpi eq, %arg0, %eq3A : i32
    %convert_element_type3A = arith.extui %eq3A_0 : i1 to i32
    %cond3A = arith.constant 0 : i32
    %cond3A_1 = arith.cmpi ne, %convert_element_type3A, %cond3A : i32
    scf.if %cond3A_1 {
      %add3A = arith.constant 0 : i32
      %add3A_7 = arith.addi %add3A, %arg1 : i32
      %lt3A = arith.constant 1250 : i32
      %lt3A_8 = arith.cmpi slt, %add3A_7, %lt3A : i32
      %convert_element_type3A_9 = arith.extui %lt3A_8 : i1 to i32
      %cond3A_10 = arith.constant 0 : i32
      %cond3A_11 = arith.cmpi ne, %convert_element_type3A_9, %cond3A_10 : i32
      scf.if %cond3A_11 {
        %add3A_56 = arith.constant 0 : i32
        %add3A_57 = arith.addi %add3A_56, %arg1 : i32
        %mul3A = arith.constant 128 : i32
        %mul3A_58 = arith.muli %add3A_57, %mul3A : i32
        %dma_start3A = arith.constant 0 : i32
        %dma_start3A_59 = arith.constant 0 : i32
        %dma_start3A_60 = tpu.memref_slice %arg8[%dma_start3A, %dma_start3A_59] : memref<3x128xi32, #tpu.memory_space<vmem>> -> memref<1x128xi32, #tpu.memory_space<vmem>>
        %dma_start3A_61 = tpu.memref_squeeze %dma_start3A_60 : memref<1x128xi32, #tpu.memory_space<vmem>> -> memref<128xi32, #tpu.memory_space<vmem>>
        %dma_start3A_62 = tpu.memref_slice %arg4[%mul3A_58] : memref<160000xi32, #tpu.memory_space<hbm>> -> memref<128xi32, #tpu.memory_space<hbm>>
        %dma_start3A_63 = arith.constant 0 : i32
        %dma_start3A_64 = tpu.memref_slice %arg8[%dma_start3A, %dma_start3A_63] : memref<3x128xi32, #tpu.memory_space<vmem>> -> memref<1x128xi32, #tpu.memory_space<vmem>>
        %dma_start3A_65 = tpu.memref_squeeze %dma_start3A_64 : memref<1x128xi32, #tpu.memory_space<vmem>> -> memref<128xi32, #tpu.memory_space<vmem>>
        %dma_start3A_66 = tpu.memref_slice %arg4[%mul3A_58] : memref<160000xi32, #tpu.memory_space<hbm>> -> memref<128xi32, #tpu.memory_space<hbm>>
        tpu.enqueue_dma source(%dma_start3A_66 : memref<128xi32, #tpu.memory_space<hbm>>) target(%dma_start3A_65 : memref<128xi32, #tpu.memory_space<vmem>>) target_semaphore(%arg10 : memref<!tpu.dma_semaphore, #tpu.memory_space<semaphore_mem>>)
      } else {
      }
      %add3A_12 = arith.constant 16 : i32
      %add3A_13 = arith.addi %add3A_12, %arg1 : i32
      %lt3A_14 = arith.constant 1250 : i32
      %lt3A_15 = arith.cmpi slt, %add3A_13, %lt3A_14 : i32
      %convert_element_type3A_16 = arith.extui %lt3A_15 : i1 to i32
      %cond3A_17 = arith.constant 0 : i32
      %cond3A_18 = arith.cmpi ne, %convert_element_type3A_16, %cond3A_17 : i32
      scf.if %cond3A_18 {
        %add3A_56 = arith.constant 16 : i32
        %add3A_57 = arith.addi %add3A_56, %arg1 : i32
        %mul3A = arith.constant 128 : i32
        %mul3A_58 = arith.muli %add3A_57, %mul3A : i32
        %dma_start3A = arith.constant 1 : i32
        %dma_start3A_59 = arith.constant 0 : i32
        %dma_start3A_60 = tpu.memref_slice %arg8[%dma_start3A, %dma_start3A_59] : memref<3x128xi32, #tpu.memory_space<vmem>> -> memref<1x128xi32, #tpu.memory_space<vmem>>
        %dma_start3A_61 = tpu.memref_squeeze %dma_start3A_60 : memref<1x128xi32, #tpu.memory_space<vmem>> -> memref<128xi32, #tpu.memory_space<vmem>>
        %dma_start3A_62 = tpu.memref_slice %arg4[%mul3A_58] : memref<160000xi32, #tpu.memory_space<hbm>> -> memref<128xi32, #tpu.memory_space<hbm>>
        %dma_start3A_63 = arith.constant 0 : i32
        %dma_start3A_64 = tpu.memref_slice %arg8[%dma_start3A, %dma_start3A_63] : memref<3x128xi32, #tpu.memory_space<vmem>> -> memref<1x128xi32, #tpu.memory_space<vmem>>
        %dma_start3A_65 = tpu.memref_squeeze %dma_start3A_64 : memref<1x128xi32, #tpu.memory_space<vmem>> -> memref<128xi32, #tpu.memory_space<vmem>>
        %dma_start3A_66 = tpu.memref_slice %arg4[%mul3A_58] : memref<160000xi32, #tpu.memory_space<hbm>> -> memref<128xi32, #tpu.memory_space<hbm>>
        tpu.enqueue_dma source(%dma_start3A_66 : memref<128xi32, #tpu.memory_space<hbm>>) target(%dma_start3A_65 : memref<128xi32, #tpu.memory_space<vmem>>) target_semaphore(%arg10 : memref<!tpu.dma_semaphore, #tpu.memory_space<semaphore_mem>>)
      } else {
      }
      %scan3A = arith.constant 0 : i32
      %scan3A_19 = arith.constant 80 : i32
      %scan3A_20 = arith.addi %scan3A, %scan3A_19 : i32
      %scan3A_21 = arith.constant 1 : i32
      scf.for %scan3A_56 = %scan3A to %scan3A_20 step %scan3A_21  : i32 {
        %mul3A = arith.constant 1 : i32
        %mul3A_57 = arith.muli %scan3A_56, %mul3A : i32
        %add3A_58 = arith.constant 0 : i32
        %add3A_59 = arith.addi %add3A_58, %mul3A_57 : i32
        %jit3A = arith.constant 3 : i32
        %eq3A_60 = arith.constant 0 : i32
        %eq3A_61 = arith.cmpi eq, %jit3A, %eq3A_60 : i32
        %jit3A_62 = arith.constant 1 : i32
        %select_n3A = arith.select %eq3A_61, %jit3A_62, %jit3A : i32
        %rem3A = arith.remsi %add3A_59, %select_n3A : i32
        %ne3A = arith.constant 0 : i32
        %ne3A_63 = arith.cmpi ne, %rem3A, %ne3A : i32
        %lt3A_64 = arith.constant 0 : i32
        %lt3A_65 = arith.cmpi slt, %rem3A, %lt3A_64 : i32
        %lt3A_66 = arith.constant 0 : i32
        %lt3A_67 = arith.cmpi slt, %select_n3A, %lt3A_66 : i32
        %ne3A_68 = arith.xori %lt3A_65, %lt3A_67 : i1
        %and3A_69 = arith.andi %ne3A_68, %ne3A_63 : i1
        %add3A_70 = arith.addi %rem3A, %select_n3A : i32
        %select_n3A_71 = arith.select %and3A_69, %add3A_70, %rem3A : i32
        %add3A_72 = arith.constant 3 : i32
        %add3A_73 = arith.addi %add3A_59, %add3A_72 : i32
        %sub3A = arith.constant 1 : i32
        %sub3A_74 = arith.subi %add3A_73, %sub3A : i32
        %jit3A_75 = arith.constant 3 : i32
        %eq3A_76 = arith.constant 0 : i32
        %eq3A_77 = arith.cmpi eq, %jit3A_75, %eq3A_76 : i32
        %jit3A_78 = arith.constant 1 : i32
        %select_n3A_79 = arith.select %eq3A_77, %jit3A_78, %jit3A_75 : i32
        %rem3A_80 = arith.remsi %sub3A_74, %select_n3A_79 : i32
        %ne3A_81 = arith.constant 0 : i32
        %ne3A_82 = arith.cmpi ne, %rem3A_80, %ne3A_81 : i32
        %lt3A_83 = arith.constant 0 : i32
        %lt3A_84 = arith.cmpi slt, %rem3A_80, %lt3A_83 : i32
        %lt3A_85 = arith.constant 0 : i32
        %lt3A_86 = arith.cmpi slt, %select_n3A_79, %lt3A_85 : i32
        %ne3A_87 = arith.xori %lt3A_84, %lt3A_86 : i1
        %and3A_88 = arith.andi %ne3A_87, %ne3A_82 : i1
        %add3A_89 = arith.addi %rem3A_80, %select_n3A_79 : i32
        %select_n3A_90 = arith.select %and3A_88, %add3A_89, %rem3A_80 : i32
        %lt3A_91 = arith.constant 79 : i32
        %lt3A_92 = arith.cmpi slt, %add3A_59, %lt3A_91 : i32
        %mul3A_93 = arith.constant 16 : i32
        %mul3A_94 = arith.muli %add3A_59, %mul3A_93 : i32
        %add3A_95 = arith.addi %mul3A_94, %arg1 : i32
        %lt3A_96 = arith.constant 1250 : i32
        %lt3A_97 = arith.cmpi slt, %add3A_95, %lt3A_96 : i32
        %and3A_98 = arith.andi %lt3A_92, %lt3A_97 : i1
        %convert_element_type3A_99 = arith.extui %and3A_98 : i1 to i32
        %cond3A_100 = arith.constant 0 : i32
        %cond3A_101 = arith.cmpi ne, %convert_element_type3A_99, %cond3A_100 : i32
        scf.if %cond3A_101 {
          %ge3A_129 = arith.constant 3 : i32
          %ge3A_130 = arith.cmpi sge, %add3A_59, %ge3A_129 : i32
          %convert_element_type3A_131 = arith.extui %ge3A_130 : i1 to i32
          %cond3A_132 = arith.constant 0 : i32
          %cond3A_133 = arith.cmpi ne, %convert_element_type3A_131, %cond3A_132 : i32
          scf.if %cond3A_133 {
            %dma_wait3A_152 = arith.constant 0 : i32
            %dma_wait3A_153 = arith.constant 0 : i32
            %dma_wait3A_154 = tpu.memref_slice %arg9[%select_n3A_71, %dma_wait3A_152, %dma_wait3A_153] : memref<3x128x128xf32, #tpu.memory_space<vmem>> -> memref<1x128x128xf32, #tpu.memory_space<vmem>>
            %dma_wait3A_155 = tpu.memref_squeeze %dma_wait3A_154 : memref<1x128x128xf32, #tpu.memory_space<vmem>> -> memref<128x128xf32, #tpu.memory_space<vmem>>
            %dma_wait3A_156 = arith.constant 0 : i32
            %dma_wait3A_157 = arith.constant 0 : i32
            %dma_wait3A_158 = tpu.memref_slice %arg6[%dma_wait3A_156, %dma_wait3A_157] : memref<160000x128xf32, #tpu.memory_space<hbm>> -> memref<128x128xf32, #tpu.memory_space<hbm>>
            %dma_wait3A_159 = arith.constant 0 : i32
            %dma_wait3A_160 = arith.constant 0 : i32
            %dma_wait3A_161 = tpu.memref_slice %arg6[%dma_wait3A_159, %dma_wait3A_160] : memref<160000x128xf32, #tpu.memory_space<hbm>> -> memref<128x128xf32, #tpu.memory_space<hbm>>
            %dma_wait3A_162 = arith.constant 0 : i32
            %dma_wait3A_163 = arith.constant 0 : i32
            %dma_wait3A_164 = tpu.memref_slice %arg9[%select_n3A_71, %dma_wait3A_162, %dma_wait3A_163] : memref<3x128x128xf32, #tpu.memory_space<vmem>> -> memref<1x128x128xf32, #tpu.memory_space<vmem>>
            %dma_wait3A_165 = tpu.memref_squeeze %dma_wait3A_164 : memref<1x128x128xf32, #tpu.memory_space<vmem>> -> memref<128x128xf32, #tpu.memory_space<vmem>>
            tpu.wait_dma2 semaphore(%arg12 : memref<!tpu.dma_semaphore, #tpu.memory_space<semaphore_mem>>) src(%dma_wait3A_165 : memref<128x128xf32, #tpu.memory_space<vmem>>) dst(%dma_wait3A_161 : memref<128x128xf32, #tpu.memory_space<hbm>>)
          } else {
          }
          %dma_wait3A = arith.constant 0 : i32
          %dma_wait3A_134 = tpu.memref_slice %arg8[%select_n3A_71, %dma_wait3A] : memref<3x128xi32, #tpu.memory_space<vmem>> -> memref<1x128xi32, #tpu.memory_space<vmem>>
          %dma_wait3A_135 = tpu.memref_squeeze %dma_wait3A_134 : memref<1x128xi32, #tpu.memory_space<vmem>> -> memref<128xi32, #tpu.memory_space<vmem>>
          %dma_wait3A_136 = arith.constant 0 : i32
          %dma_wait3A_137 = tpu.memref_slice %arg4[%dma_wait3A_136] : memref<160000xi32, #tpu.memory_space<hbm>> -> memref<128xi32, #tpu.memory_space<hbm>>
          %dma_wait3A_138 = arith.constant 0 : i32
          %dma_wait3A_139 = tpu.memref_slice %arg8[%select_n3A_71, %dma_wait3A_138] : memref<3x128xi32, #tpu.memory_space<vmem>> -> memref<1x128xi32, #tpu.memory_space<vmem>>
          %dma_wait3A_140 = tpu.memref_squeeze %dma_wait3A_139 : memref<1x128xi32, #tpu.memory_space<vmem>> -> memref<128xi32, #tpu.memory_space<vmem>>
          %dma_wait3A_141 = arith.constant 0 : i32
          %dma_wait3A_142 = tpu.memref_slice %arg4[%dma_wait3A_141] : memref<160000xi32, #tpu.memory_space<hbm>> -> memref<128xi32, #tpu.memory_space<hbm>>
          tpu.wait_dma2 semaphore(%arg10 : memref<!tpu.dma_semaphore, #tpu.memory_space<semaphore_mem>>) src(%dma_wait3A_142 : memref<128xi32, #tpu.memory_space<hbm>>) dst(%dma_wait3A_140 : memref<128xi32, #tpu.memory_space<vmem>>)
          %dma_start3A = arith.constant 0 : i32
          %dma_start3A_143 = arith.constant 0 : i32
          %dma_start3A_144 = tpu.memref_slice %arg9[%select_n3A_71, %dma_start3A, %dma_start3A_143] : memref<3x128x128xf32, #tpu.memory_space<vmem>> -> memref<1x128x128xf32, #tpu.memory_space<vmem>>
          %dma_start3A_145 = tpu.memref_squeeze %dma_start3A_144 : memref<1x128x128xf32, #tpu.memory_space<vmem>> -> memref<128x128xf32, #tpu.memory_space<vmem>>
          %dma_start3A_146 = arith.constant 0 : i32
          %dma_start3A_147 = tpu.memref_slice %arg8[%select_n3A_71, %dma_start3A_146] : memref<3x128xi32, #tpu.memory_space<vmem>> -> memref<1x128xi32, #tpu.memory_space<vmem>>
          %dma_start3A_148 = tpu.memref_squeeze %dma_start3A_147 : memref<1x128xi32, #tpu.memory_space<vmem>> -> memref<128xi32, #tpu.memory_space<vmem>>
          %dma_start3A_149 = arith.constant 0 : i32
          %dma_start3A_150 = arith.constant 0 : i32
          %dma_start3A_151 = tpu.memref_slice %arg2[%dma_start3A_149, %dma_start3A_150] : memref<10000x128xf32, #tpu.memory_space<hbm>> -> memref<10000x128xf32, #tpu.memory_space<hbm>>
          tpu.enqueue_indirect_dma source(%dma_start3A_151 : memref<10000x128xf32, #tpu.memory_space<hbm>>) target(%dma_start3A_145 : memref<128x128xf32, #tpu.memory_space<vmem>>) offsets(%dma_start3A_148 : memref<128xi32, #tpu.memory_space<vmem>>) semaphore(%arg11 : memref<!tpu.dma_semaphore, #tpu.memory_space<semaphore_mem>>)
        } else {
        }
        %ge3A = arith.constant 1 : i32
        %ge3A_102 = arith.cmpi sge, %add3A_59, %ge3A : i32
        %sub3A_103 = arith.constant 1 : i32
        %sub3A_104 = arith.subi %add3A_59, %sub3A_103 : i32
        %mul3A_105 = arith.constant 16 : i32
        %mul3A_106 = arith.muli %sub3A_104, %mul3A_105 : i32
        %add3A_107 = arith.addi %mul3A_106, %arg1 : i32
        %lt3A_108 = arith.constant 1250 : i32
        %lt3A_109 = arith.cmpi slt, %add3A_107, %lt3A_108 : i32
        %and3A_110 = arith.andi %ge3A_102, %lt3A_109 : i1
        %convert_element_type3A_111 = arith.extui %and3A_110 : i1 to i32
        %cond3A_112 = arith.constant 0 : i32
        %cond3A_113 = arith.cmpi ne, %convert_element_type3A_111, %cond3A_112 : i32
        scf.if %cond3A_113 {
          %dma_wait3A = arith.constant 0 : i32
          %dma_wait3A_129 = arith.constant 0 : i32
          %dma_wait3A_130 = tpu.memref_slice %arg9[%select_n3A_90, %dma_wait3A, %dma_wait3A_129] : memref<3x128x128xf32, #tpu.memory_space<vmem>> -> memref<1x128x128xf32, #tpu.memory_space<vmem>>
          %dma_wait3A_131 = tpu.memref_squeeze %dma_wait3A_130 : memref<1x128x128xf32, #tpu.memory_space<vmem>> -> memref<128x128xf32, #tpu.memory_space<vmem>>
          %dma_wait3A_132 = arith.constant 0 : i32
          %dma_wait3A_133 = tpu.memref_slice %arg8[%select_n3A_90, %dma_wait3A_132] : memref<3x128xi32, #tpu.memory_space<vmem>> -> memref<1x128xi32, #tpu.memory_space<vmem>>
          %dma_wait3A_134 = tpu.memref_squeeze %dma_wait3A_133 : memref<1x128xi32, #tpu.memory_space<vmem>> -> memref<128xi32, #tpu.memory_space<vmem>>
          %dma_wait3A_135 = arith.constant 0 : i32
          %dma_wait3A_136 = arith.constant 0 : i32
          %dma_wait3A_137 = tpu.memref_slice %arg2[%dma_wait3A_135, %dma_wait3A_136] : memref<10000x128xf32, #tpu.memory_space<hbm>> -> memref<10000x128xf32, #tpu.memory_space<hbm>>
          tpu.wait_indirect_dma semaphore(%arg11 : memref<!tpu.dma_semaphore, #tpu.memory_space<semaphore_mem>>) src(%dma_wait3A_137 : memref<10000x128xf32, #tpu.memory_space<hbm>>) dst(%dma_wait3A_131 : memref<128x128xf32, #tpu.memory_space<vmem>>)
          %sub3A_138 = arith.constant 1 : i32
          %sub3A_139 = arith.subi %add3A_59, %sub3A_138 : i32
          %mul3A_140 = arith.constant 16 : i32
          %mul3A_141 = arith.muli %sub3A_139, %mul3A_140 : i32
          %add3A_142 = arith.addi %mul3A_141, %arg1 : i32
          %mul3A_143 = arith.constant 128 : i32
          %mul3A_144 = arith.muli %add3A_142, %mul3A_143 : i32
          %dma_start3A = arith.constant 0 : i32
          %dma_start3A_145 = arith.constant 0 : i32
          %dma_start3A_146 = tpu.memref_slice %arg9[%select_n3A_90, %dma_start3A, %dma_start3A_145] : memref<3x128x128xf32, #tpu.memory_space<vmem>> -> memref<1x128x128xf32, #tpu.memory_space<vmem>>
          %dma_start3A_147 = tpu.memref_squeeze %dma_start3A_146 : memref<1x128x128xf32, #tpu.memory_space<vmem>> -> memref<128x128xf32, #tpu.memory_space<vmem>>
          %dma_start3A_148 = arith.constant 0 : i32
          %dma_start3A_149 = tpu.memref_slice %arg6[%mul3A_144, %dma_start3A_148] : memref<160000x128xf32, #tpu.memory_space<hbm>> -> memref<128x128xf32, #tpu.memory_space<hbm>>
          %dma_start3A_150 = arith.constant 0 : i32
          %dma_start3A_151 = tpu.memref_slice %arg6[%mul3A_144, %dma_start3A_150] : memref<160000x128xf32, #tpu.memory_space<hbm>> -> memref<128x128xf32, #tpu.memory_space<hbm>>
          %dma_start3A_152 = arith.constant 0 : i32
          %dma_start3A_153 = arith.constant 0 : i32
          %dma_start3A_154 = tpu.memref_slice %arg9[%select_n3A_90, %dma_start3A_152, %dma_start3A_153] : memref<3x128x128xf32, #tpu.memory_space<vmem>> -> memref<1x128x128xf32, #tpu.memory_space<vmem>>
          %dma_start3A_155 = tpu.memref_squeeze %dma_start3A_154 : memref<1x128x128xf32, #tpu.memory_space<vmem>> -> memref<128x128xf32, #tpu.memory_space<vmem>>
          tpu.enqueue_dma source(%dma_start3A_155 : memref<128x128xf32, #tpu.memory_space<vmem>>) target(%dma_start3A_151 : memref<128x128xf32, #tpu.memory_space<hbm>>) target_semaphore(%arg12 : memref<!tpu.dma_semaphore, #tpu.memory_space<semaphore_mem>>)
        } else {
        }
        %add3A_114 = arith.constant 2 : i32
        %add3A_115 = arith.addi %add3A_59, %add3A_114 : i32
        %lt3A_116 = arith.constant 79 : i32
        %lt3A_117 = arith.cmpi slt, %add3A_115, %lt3A_116 : i32
        %add3A_118 = arith.constant 2 : i32
        %add3A_119 = arith.addi %add3A_59, %add3A_118 : i32
        %mul3A_120 = arith.constant 16 : i32
        %mul3A_121 = arith.muli %add3A_119, %mul3A_120 : i32
        %add3A_122 = arith.addi %mul3A_121, %arg1 : i32
        %lt3A_123 = arith.constant 1250 : i32
        %lt3A_124 = arith.cmpi slt, %add3A_122, %lt3A_123 : i32
        %and3A_125 = arith.andi %lt3A_117, %lt3A_124 : i1
        %convert_element_type3A_126 = arith.extui %and3A_125 : i1 to i32
        %cond3A_127 = arith.constant 0 : i32
        %cond3A_128 = arith.cmpi ne, %convert_element_type3A_126, %cond3A_127 : i32
        scf.if %cond3A_128 {
          %add3A_129 = arith.constant 2 : i32
          %add3A_130 = arith.addi %add3A_59, %add3A_129 : i32
          %add3A_131 = arith.constant 2 : i32
          %add3A_132 = arith.addi %add3A_59, %add3A_131 : i32
          %jit3A_133 = arith.constant 3 : i32
          %eq3A_134 = arith.constant 0 : i32
          %eq3A_135 = arith.cmpi eq, %jit3A_133, %eq3A_134 : i32
          %jit3A_136 = arith.constant 1 : i32
          %select_n3A_137 = arith.select %eq3A_135, %jit3A_136, %jit3A_133 : i32
          %rem3A_138 = arith.remsi %add3A_132, %select_n3A_137 : i32
          %ne3A_139 = arith.constant 0 : i32
          %ne3A_140 = arith.cmpi ne, %rem3A_138, %ne3A_139 : i32
          %lt3A_141 = arith.constant 0 : i32
          %lt3A_142 = arith.cmpi slt, %rem3A_138, %lt3A_141 : i32
          %lt3A_143 = arith.constant 0 : i32
          %lt3A_144 = arith.cmpi slt, %select_n3A_137, %lt3A_143 : i32
          %ne3A_145 = arith.xori %lt3A_142, %lt3A_144 : i1
          %and3A_146 = arith.andi %ne3A_145, %ne3A_140 : i1
          %add3A_147 = arith.addi %rem3A_138, %select_n3A_137 : i32
          %select_n3A_148 = arith.select %and3A_146, %add3A_147, %rem3A_138 : i32
          %mul3A_149 = arith.constant 16 : i32
          %mul3A_150 = arith.muli %add3A_130, %mul3A_149 : i32
          %add3A_151 = arith.addi %mul3A_150, %arg1 : i32
          %mul3A_152 = arith.constant 128 : i32
          %mul3A_153 = arith.muli %add3A_151, %mul3A_152 : i32
          %dma_start3A = arith.constant 0 : i32
          %dma_start3A_154 = tpu.memref_slice %arg8[%select_n3A_148, %dma_start3A] : memref<3x128xi32, #tpu.memory_space<vmem>> -> memref<1x128xi32, #tpu.memory_space<vmem>>
          %dma_start3A_155 = tpu.memref_squeeze %dma_start3A_154 : memref<1x128xi32, #tpu.memory_space<vmem>> -> memref<128xi32, #tpu.memory_space<vmem>>
          %dma_start3A_156 = tpu.memref_slice %arg4[%mul3A_153] : memref<160000xi32, #tpu.memory_space<hbm>> -> memref<128xi32, #tpu.memory_space<hbm>>
          %dma_start3A_157 = arith.constant 0 : i32
          %dma_start3A_158 = tpu.memref_slice %arg8[%select_n3A_148, %dma_start3A_157] : memref<3x128xi32, #tpu.memory_space<vmem>> -> memref<1x128xi32, #tpu.memory_space<vmem>>
          %dma_start3A_159 = tpu.memref_squeeze %dma_start3A_158 : memref<1x128xi32, #tpu.memory_space<vmem>> -> memref<128xi32, #tpu.memory_space<vmem>>
          %dma_start3A_160 = tpu.memref_slice %arg4[%mul3A_153] : memref<160000xi32, #tpu.memory_space<hbm>> -> memref<128xi32, #tpu.memory_space<hbm>>
          tpu.enqueue_dma source(%dma_start3A_160 : memref<128xi32, #tpu.memory_space<hbm>>) target(%dma_start3A_159 : memref<128xi32, #tpu.memory_space<vmem>>) target_semaphore(%arg10 : memref<!tpu.dma_semaphore, #tpu.memory_space<semaphore_mem>>)
        } else {
        }
      }
      %scan3A_22 = arith.constant 80 : i32
      %add3A_23 = arith.constant 1200 : i32
      %add3A_24 = arith.addi %add3A_23, %arg1 : i32
      %lt3A_25 = arith.constant 1250 : i32
      %lt3A_26 = arith.cmpi slt, %add3A_24, %lt3A_25 : i32
      %add3A_27 = arith.constant 1248 : i32
      %add3A_28 = arith.addi %add3A_27, %arg1 : i32
      %lt3A_29 = arith.constant 1250 : i32
      %lt3A_30 = arith.cmpi slt, %add3A_28, %lt3A_29 : i32
      %not3A = arith.constant true
      %not3A_31 = arith.xori %lt3A_30, %not3A : i1
      %and3A = arith.andi %lt3A_26, %not3A_31 : i1
      %convert_element_type3A_32 = arith.extui %and3A : i1 to i32
      %cond3A_33 = arith.constant 0 : i32
      %cond3A_34 = arith.cmpi ne, %convert_element_type3A_32, %cond3A_33 : i32
      scf.if %cond3A_34 {
        %dma_wait3A = arith.constant 0 : i32
        %dma_wait3A_56 = arith.constant 0 : i32
        %dma_wait3A_57 = arith.constant 0 : i32
        %dma_wait3A_58 = tpu.memref_slice %arg9[%dma_wait3A, %dma_wait3A_56, %dma_wait3A_57] : memref<3x128x128xf32, #tpu.memory_space<vmem>> -> memref<1x128x128xf32, #tpu.memory_space<vmem>>
        %dma_wait3A_59 = tpu.memref_squeeze %dma_wait3A_58 : memref<1x128x128xf32, #tpu.memory_space<vmem>> -> memref<128x128xf32, #tpu.memory_space<vmem>>
        %dma_wait3A_60 = arith.constant 0 : i32
        %dma_wait3A_61 = arith.constant 0 : i32
        %dma_wait3A_62 = tpu.memref_slice %arg6[%dma_wait3A_60, %dma_wait3A_61] : memref<160000x128xf32, #tpu.memory_space<hbm>> -> memref<128x128xf32, #tpu.memory_space<hbm>>
        %dma_wait3A_63 = arith.constant 0 : i32
        %dma_wait3A_64 = arith.constant 0 : i32
        %dma_wait3A_65 = tpu.memref_slice %arg6[%dma_wait3A_63, %dma_wait3A_64] : memref<160000x128xf32, #tpu.memory_space<hbm>> -> memref<128x128xf32, #tpu.memory_space<hbm>>
        %dma_wait3A_66 = arith.constant 0 : i32
        %dma_wait3A_67 = arith.constant 0 : i32
        %dma_wait3A_68 = tpu.memref_slice %arg9[%dma_wait3A, %dma_wait3A_66, %dma_wait3A_67] : memref<3x128x128xf32, #tpu.memory_space<vmem>> -> memref<1x128x128xf32, #tpu.memory_space<vmem>>
        %dma_wait3A_69 = tpu.memref_squeeze %dma_wait3A_68 : memref<1x128x128xf32, #tpu.memory_space<vmem>> -> memref<128x128xf32, #tpu.memory_space<vmem>>
        tpu.wait_dma2 semaphore(%arg12 : memref<!tpu.dma_semaphore, #tpu.memory_space<semaphore_mem>>) src(%dma_wait3A_69 : memref<128x128xf32, #tpu.memory_space<vmem>>) dst(%dma_wait3A_65 : memref<128x128xf32, #tpu.memory_space<hbm>>)
      } else {
      }
      %add3A_35 = arith.constant 1216 : i32
      %add3A_36 = arith.addi %add3A_35, %arg1 : i32
      %lt3A_37 = arith.constant 1250 : i32
      %lt3A_38 = arith.cmpi slt, %add3A_36, %lt3A_37 : i32
      %convert_element_type3A_39 = arith.extui %lt3A_38 : i1 to i32
      %cond3A_40 = arith.constant 0 : i32
      %cond3A_41 = arith.cmpi ne, %convert_element_type3A_39, %cond3A_40 : i32
      scf.if %cond3A_41 {
        %dma_wait3A = arith.constant 1 : i32
        %dma_wait3A_56 = arith.constant 0 : i32
        %dma_wait3A_57 = arith.constant 0 : i32
        %dma_wait3A_58 = tpu.memref_slice %arg9[%dma_wait3A, %dma_wait3A_56, %dma_wait3A_57] : memref<3x128x128xf32, #tpu.memory_space<vmem>> -> memref<1x128x128xf32, #tpu.memory_space<vmem>>
        %dma_wait3A_59 = tpu.memref_squeeze %dma_wait3A_58 : memref<1x128x128xf32, #tpu.memory_space<vmem>> -> memref<128x128xf32, #tpu.memory_space<vmem>>
        %dma_wait3A_60 = arith.constant 0 : i32
        %dma_wait3A_61 = arith.constant 0 : i32
        %dma_wait3A_62 = tpu.memref_slice %arg6[%dma_wait3A_60, %dma_wait3A_61] : memref<160000x128xf32, #tpu.memory_space<hbm>> -> memref<128x128xf32, #tpu.memory_space<hbm>>
        %dma_wait3A_63 = arith.constant 0 : i32
        %dma_wait3A_64 = arith.constant 0 : i32
        %dma_wait3A_65 = tpu.memref_slice %arg6[%dma_wait3A_63, %dma_wait3A_64] : memref<160000x128xf32, #tpu.memory_space<hbm>> -> memref<128x128xf32, #tpu.memory_space<hbm>>
        %dma_wait3A_66 = arith.constant 0 : i32
        %dma_wait3A_67 = arith.constant 0 : i32
        %dma_wait3A_68 = tpu.memref_slice %arg9[%dma_wait3A, %dma_wait3A_66, %dma_wait3A_67] : memref<3x128x128xf32, #tpu.memory_space<vmem>> -> memref<1x128x128xf32, #tpu.memory_space<vmem>>
        %dma_wait3A_69 = tpu.memref_squeeze %dma_wait3A_68 : memref<1x128x128xf32, #tpu.memory_space<vmem>> -> memref<128x128xf32, #tpu.memory_space<vmem>>
        tpu.wait_dma2 semaphore(%arg12 : memref<!tpu.dma_semaphore, #tpu.memory_space<semaphore_mem>>) src(%dma_wait3A_69 : memref<128x128xf32, #tpu.memory_space<vmem>>) dst(%dma_wait3A_65 : memref<128x128xf32, #tpu.memory_space<hbm>>)
      } else {
      }
      %add3A_42 = arith.constant 1232 : i32
      %add3A_43 = arith.addi %add3A_42, %arg1 : i32
      %lt3A_44 = arith.constant 1250 : i32
      %lt3A_45 = arith.cmpi slt, %add3A_43, %lt3A_44 : i32
      %convert_element_type3A_46 = arith.extui %lt3A_45 : i1 to i32
      %cond3A_47 = arith.constant 0 : i32
      %cond3A_48 = arith.cmpi ne, %convert_element_type3A_46, %cond3A_47 : i32
      scf.if %cond3A_48 {
        %dma_wait3A = arith.constant 2 : i32
        %dma_wait3A_56 = arith.constant 0 : i32
        %dma_wait3A_57 = arith.constant 0 : i32
        %dma_wait3A_58 = tpu.memref_slice %arg9[%dma_wait3A, %dma_wait3A_56, %dma_wait3A_57] : memref<3x128x128xf32, #tpu.memory_space<vmem>> -> memref<1x128x128xf32, #tpu.memory_space<vmem>>
        %dma_wait3A_59 = tpu.memref_squeeze %dma_wait3A_58 : memref<1x128x128xf32, #tpu.memory_space<vmem>> -> memref<128x128xf32, #tpu.memory_space<vmem>>
        %dma_wait3A_60 = arith.constant 0 : i32
        %dma_wait3A_61 = arith.constant 0 : i32
        %dma_wait3A_62 = tpu.memref_slice %arg6[%dma_wait3A_60, %dma_wait3A_61] : memref<160000x128xf32, #tpu.memory_space<hbm>> -> memref<128x128xf32, #tpu.memory_space<hbm>>
        %dma_wait3A_63 = arith.constant 0 : i32
        %dma_wait3A_64 = arith.constant 0 : i32
        %dma_wait3A_65 = tpu.memref_slice %arg6[%dma_wait3A_63, %dma_wait3A_64] : memref<160000x128xf32, #tpu.memory_space<hbm>> -> memref<128x128xf32, #tpu.memory_space<hbm>>
        %dma_wait3A_66 = arith.constant 0 : i32
        %dma_wait3A_67 = arith.constant 0 : i32
        %dma_wait3A_68 = tpu.memref_slice %arg9[%dma_wait3A, %dma_wait3A_66, %dma_wait3A_67] : memref<3x128x128xf32, #tpu.memory_space<vmem>> -> memref<1x128x128xf32, #tpu.memory_space<vmem>>
        %dma_wait3A_69 = tpu.memref_squeeze %dma_wait3A_68 : memref<1x128x128xf32, #tpu.memory_space<vmem>> -> memref<128x128xf32, #tpu.memory_space<vmem>>
        tpu.wait_dma2 semaphore(%arg12 : memref<!tpu.dma_semaphore, #tpu.memory_space<semaphore_mem>>) src(%dma_wait3A_69 : memref<128x128xf32, #tpu.memory_space<vmem>>) dst(%dma_wait3A_65 : memref<128x128xf32, #tpu.memory_space<hbm>>)
      } else {
      }
      %add3A_49 = arith.constant 1248 : i32
      %add3A_50 = arith.addi %add3A_49, %arg1 : i32
      %lt3A_51 = arith.constant 1250 : i32
      %lt3A_52 = arith.cmpi slt, %add3A_50, %lt3A_51 : i32
      %convert_element_type3A_53 = arith.extui %lt3A_52 : i1 to i32
      %cond3A_54 = arith.constant 0 : i32
      %cond3A_55 = arith.cmpi ne, %convert_element_type3A_53, %cond3A_54 : i32
      scf.if %cond3A_55 {
        %dma_wait3A = arith.constant 0 : i32
        %dma_wait3A_56 = arith.constant 0 : i32
        %dma_wait3A_57 = arith.constant 0 : i32
        %dma_wait3A_58 = tpu.memref_slice %arg9[%dma_wait3A, %dma_wait3A_56, %dma_wait3A_57] : memref<3x128x128xf32, #tpu.memory_space<vmem>> -> memref<1x128x128xf32, #tpu.memory_space<vmem>>
        %dma_wait3A_59 = tpu.memref_squeeze %dma_wait3A_58 : memref<1x128x128xf32, #tpu.memory_space<vmem>> -> memref<128x128xf32, #tpu.memory_space<vmem>>
        %dma_wait3A_60 = arith.constant 0 : i32
        %dma_wait3A_61 = arith.constant 0 : i32
        %dma_wait3A_62 = tpu.memref_slice %arg6[%dma_wait3A_60, %dma_wait3A_61] : memref<160000x128xf32, #tpu.memory_space<hbm>> -> memref<128x128xf32, #tpu.memory_space<hbm>>
        %dma_wait3A_63 = arith.constant 0 : i32
        %dma_wait3A_64 = arith.constant 0 : i32
        %dma_wait3A_65 = tpu.memref_slice %arg6[%dma_wait3A_63, %dma_wait3A_64] : memref<160000x128xf32, #tpu.memory_space<hbm>> -> memref<128x128xf32, #tpu.memory_space<hbm>>
        %dma_wait3A_66 = arith.constant 0 : i32
        %dma_wait3A_67 = arith.constant 0 : i32
        %dma_wait3A_68 = tpu.memref_slice %arg9[%dma_wait3A, %dma_wait3A_66, %dma_wait3A_67] : memref<3x128x128xf32, #tpu.memory_space<vmem>> -> memref<1x128x128xf32, #tpu.memory_space<vmem>>
        %dma_wait3A_69 = tpu.memref_squeeze %dma_wait3A_68 : memref<1x128x128xf32, #tpu.memory_space<vmem>> -> memref<128x128xf32, #tpu.memory_space<vmem>>
        tpu.wait_dma2 semaphore(%arg12 : memref<!tpu.dma_semaphore, #tpu.memory_space<semaphore_mem>>) src(%dma_wait3A_69 : memref<128x128xf32, #tpu.memory_space<vmem>>) dst(%dma_wait3A_65 : memref<128x128xf32, #tpu.memory_space<hbm>>)
      } else {
      }
    } else {
    }
    %eq3A_2 = arith.constant 1 : i32
    %eq3A_3 = arith.cmpi eq, %arg0, %eq3A_2 : i32
    %convert_element_type3A_4 = arith.extui %eq3A_3 : i1 to i32
    %cond3A_5 = arith.constant 0 : i32
    %cond3A_6 = arith.cmpi ne, %convert_element_type3A_4, %cond3A_5 : i32
    scf.if %cond3A_6 {
      %add3A = arith.constant 0 : i32
      %add3A_7 = arith.addi %add3A, %arg1 : i32
      %lt3A = arith.constant 1250 : i32
      %lt3A_8 = arith.cmpi slt, %add3A_7, %lt3A : i32
      %convert_element_type3A_9 = arith.extui %lt3A_8 : i1 to i32
      %cond3A_10 = arith.constant 0 : i32
      %cond3A_11 = arith.cmpi ne, %convert_element_type3A_9, %cond3A_10 : i32
      scf.if %cond3A_11 {
        %add3A_56 = arith.constant 0 : i32
        %add3A_57 = arith.addi %add3A_56, %arg1 : i32
        %mul3A = arith.constant 128 : i32
        %mul3A_58 = arith.muli %add3A_57, %mul3A : i32
        %dma_start3A = arith.constant 0 : i32
        %dma_start3A_59 = arith.constant 0 : i32
        %dma_start3A_60 = tpu.memref_slice %arg8[%dma_start3A, %dma_start3A_59] : memref<3x128xi32, #tpu.memory_space<vmem>> -> memref<1x128xi32, #tpu.memory_space<vmem>>
        %dma_start3A_61 = tpu.memref_squeeze %dma_start3A_60 : memref<1x128xi32, #tpu.memory_space<vmem>> -> memref<128xi32, #tpu.memory_space<vmem>>
        %dma_start3A_62 = tpu.memref_slice %arg5[%mul3A_58] : memref<160000xi32, #tpu.memory_space<hbm>> -> memref<128xi32, #tpu.memory_space<hbm>>
        %dma_start3A_63 = arith.constant 0 : i32
        %dma_start3A_64 = tpu.memref_slice %arg8[%dma_start3A, %dma_start3A_63] : memref<3x128xi32, #tpu.memory_space<vmem>> -> memref<1x128xi32, #tpu.memory_space<vmem>>
        %dma_start3A_65 = tpu.memref_squeeze %dma_start3A_64 : memref<1x128xi32, #tpu.memory_space<vmem>> -> memref<128xi32, #tpu.memory_space<vmem>>
        %dma_start3A_66 = tpu.memref_slice %arg5[%mul3A_58] : memref<160000xi32, #tpu.memory_space<hbm>> -> memref<128xi32, #tpu.memory_space<hbm>>
        tpu.enqueue_dma source(%dma_start3A_66 : memref<128xi32, #tpu.memory_space<hbm>>) target(%dma_start3A_65 : memref<128xi32, #tpu.memory_space<vmem>>) target_semaphore(%arg10 : memref<!tpu.dma_semaphore, #tpu.memory_space<semaphore_mem>>)
      } else {
      }
      %add3A_12 = arith.constant 16 : i32
      %add3A_13 = arith.addi %add3A_12, %arg1 : i32
      %lt3A_14 = arith.constant 1250 : i32
      %lt3A_15 = arith.cmpi slt, %add3A_13, %lt3A_14 : i32
      %convert_element_type3A_16 = arith.extui %lt3A_15 : i1 to i32
      %cond3A_17 = arith.constant 0 : i32
      %cond3A_18 = arith.cmpi ne, %convert_element_type3A_16, %cond3A_17 : i32
      scf.if %cond3A_18 {
        %add3A_56 = arith.constant 16 : i32
        %add3A_57 = arith.addi %add3A_56, %arg1 : i32
        %mul3A = arith.constant 128 : i32
        %mul3A_58 = arith.muli %add3A_57, %mul3A : i32
        %dma_start3A = arith.constant 1 : i32
        %dma_start3A_59 = arith.constant 0 : i32
        %dma_start3A_60 = tpu.memref_slice %arg8[%dma_start3A, %dma_start3A_59] : memref<3x128xi32, #tpu.memory_space<vmem>> -> memref<1x128xi32, #tpu.memory_space<vmem>>
        %dma_start3A_61 = tpu.memref_squeeze %dma_start3A_60 : memref<1x128xi32, #tpu.memory_space<vmem>> -> memref<128xi32, #tpu.memory_space<vmem>>
        %dma_start3A_62 = tpu.memref_slice %arg5[%mul3A_58] : memref<160000xi32, #tpu.memory_space<hbm>> -> memref<128xi32, #tpu.memory_space<hbm>>
        %dma_start3A_63 = arith.constant 0 : i32
        %dma_start3A_64 = tpu.memref_slice %arg8[%dma_start3A, %dma_start3A_63] : memref<3x128xi32, #tpu.memory_space<vmem>> -> memref<1x128xi32, #tpu.memory_space<vmem>>
        %dma_start3A_65 = tpu.memref_squeeze %dma_start3A_64 : memref<1x128xi32, #tpu.memory_space<vmem>> -> memref<128xi32, #tpu.memory_space<vmem>>
        %dma_start3A_66 = tpu.memref_slice %arg5[%mul3A_58] : memref<160000xi32, #tpu.memory_space<hbm>> -> memref<128xi32, #tpu.memory_space<hbm>>
        tpu.enqueue_dma source(%dma_start3A_66 : memref<128xi32, #tpu.memory_space<hbm>>) target(%dma_start3A_65 : memref<128xi32, #tpu.memory_space<vmem>>) target_semaphore(%arg10 : memref<!tpu.dma_semaphore, #tpu.memory_space<semaphore_mem>>)
      } else {
      }
      %scan3A = arith.constant 0 : i32
      %scan3A_19 = arith.constant 80 : i32
      %scan3A_20 = arith.addi %scan3A, %scan3A_19 : i32
      %scan3A_21 = arith.constant 1 : i32
      scf.for %scan3A_56 = %scan3A to %scan3A_20 step %scan3A_21  : i32 {
        %mul3A = arith.constant 1 : i32
        %mul3A_57 = arith.muli %scan3A_56, %mul3A : i32
        %add3A_58 = arith.constant 0 : i32
        %add3A_59 = arith.addi %add3A_58, %mul3A_57 : i32
        %jit3A = arith.constant 3 : i32
        %eq3A_60 = arith.constant 0 : i32
        %eq3A_61 = arith.cmpi eq, %jit3A, %eq3A_60 : i32
        %jit3A_62 = arith.constant 1 : i32
        %select_n3A = arith.select %eq3A_61, %jit3A_62, %jit3A : i32
        %rem3A = arith.remsi %add3A_59, %select_n3A : i32
        %ne3A = arith.constant 0 : i32
        %ne3A_63 = arith.cmpi ne, %rem3A, %ne3A : i32
        %lt3A_64 = arith.constant 0 : i32
        %lt3A_65 = arith.cmpi slt, %rem3A, %lt3A_64 : i32
        %lt3A_66 = arith.constant 0 : i32
        %lt3A_67 = arith.cmpi slt, %select_n3A, %lt3A_66 : i32
        %ne3A_68 = arith.xori %lt3A_65, %lt3A_67 : i1
        %and3A_69 = arith.andi %ne3A_68, %ne3A_63 : i1
        %add3A_70 = arith.addi %rem3A, %select_n3A : i32
        %select_n3A_71 = arith.select %and3A_69, %add3A_70, %rem3A : i32
        %add3A_72 = arith.constant 3 : i32
        %add3A_73 = arith.addi %add3A_59, %add3A_72 : i32
        %sub3A = arith.constant 1 : i32
        %sub3A_74 = arith.subi %add3A_73, %sub3A : i32
        %jit3A_75 = arith.constant 3 : i32
        %eq3A_76 = arith.constant 0 : i32
        %eq3A_77 = arith.cmpi eq, %jit3A_75, %eq3A_76 : i32
        %jit3A_78 = arith.constant 1 : i32
        %select_n3A_79 = arith.select %eq3A_77, %jit3A_78, %jit3A_75 : i32
        %rem3A_80 = arith.remsi %sub3A_74, %select_n3A_79 : i32
        %ne3A_81 = arith.constant 0 : i32
        %ne3A_82 = arith.cmpi ne, %rem3A_80, %ne3A_81 : i32
        %lt3A_83 = arith.constant 0 : i32
        %lt3A_84 = arith.cmpi slt, %rem3A_80, %lt3A_83 : i32
        %lt3A_85 = arith.constant 0 : i32
        %lt3A_86 = arith.cmpi slt, %select_n3A_79, %lt3A_85 : i32
        %ne3A_87 = arith.xori %lt3A_84, %lt3A_86 : i1
        %and3A_88 = arith.andi %ne3A_87, %ne3A_82 : i1
        %add3A_89 = arith.addi %rem3A_80, %select_n3A_79 : i32
        %select_n3A_90 = arith.select %and3A_88, %add3A_89, %rem3A_80 : i32
        %lt3A_91 = arith.constant 79 : i32
        %lt3A_92 = arith.cmpi slt, %add3A_59, %lt3A_91 : i32
        %mul3A_93 = arith.constant 16 : i32
        %mul3A_94 = arith.muli %add3A_59, %mul3A_93 : i32
        %add3A_95 = arith.addi %mul3A_94, %arg1 : i32
        %lt3A_96 = arith.constant 1250 : i32
        %lt3A_97 = arith.cmpi slt, %add3A_95, %lt3A_96 : i32
        %and3A_98 = arith.andi %lt3A_92, %lt3A_97 : i1
        %convert_element_type3A_99 = arith.extui %and3A_98 : i1 to i32
        %cond3A_100 = arith.constant 0 : i32
        %cond3A_101 = arith.cmpi ne, %convert_element_type3A_99, %cond3A_100 : i32
        scf.if %cond3A_101 {
          %ge3A_129 = arith.constant 3 : i32
          %ge3A_130 = arith.cmpi sge, %add3A_59, %ge3A_129 : i32
          %convert_element_type3A_131 = arith.extui %ge3A_130 : i1 to i32
          %cond3A_132 = arith.constant 0 : i32
          %cond3A_133 = arith.cmpi ne, %convert_element_type3A_131, %cond3A_132 : i32
          scf.if %cond3A_133 {
            %dma_wait3A_152 = arith.constant 0 : i32
            %dma_wait3A_153 = arith.constant 0 : i32
            %dma_wait3A_154 = tpu.memref_slice %arg9[%select_n3A_71, %dma_wait3A_152, %dma_wait3A_153] : memref<3x128x128xf32, #tpu.memory_space<vmem>> -> memref<1x128x128xf32, #tpu.memory_space<vmem>>
            %dma_wait3A_155 = tpu.memref_squeeze %dma_wait3A_154 : memref<1x128x128xf32, #tpu.memory_space<vmem>> -> memref<128x128xf32, #tpu.memory_space<vmem>>
            %dma_wait3A_156 = arith.constant 0 : i32
            %dma_wait3A_157 = arith.constant 0 : i32
            %dma_wait3A_158 = tpu.memref_slice %arg7[%dma_wait3A_156, %dma_wait3A_157] : memref<160000x128xf32, #tpu.memory_space<hbm>> -> memref<128x128xf32, #tpu.memory_space<hbm>>
            %dma_wait3A_159 = arith.constant 0 : i32
            %dma_wait3A_160 = arith.constant 0 : i32
            %dma_wait3A_161 = tpu.memref_slice %arg7[%dma_wait3A_159, %dma_wait3A_160] : memref<160000x128xf32, #tpu.memory_space<hbm>> -> memref<128x128xf32, #tpu.memory_space<hbm>>
            %dma_wait3A_162 = arith.constant 0 : i32
            %dma_wait3A_163 = arith.constant 0 : i32
            %dma_wait3A_164 = tpu.memref_slice %arg9[%select_n3A_71, %dma_wait3A_162, %dma_wait3A_163] : memref<3x128x128xf32, #tpu.memory_space<vmem>> -> memref<1x128x128xf32, #tpu.memory_space<vmem>>
            %dma_wait3A_165 = tpu.memref_squeeze %dma_wait3A_164 : memref<1x128x128xf32, #tpu.memory_space<vmem>> -> memref<128x128xf32, #tpu.memory_space<vmem>>
            tpu.wait_dma2 semaphore(%arg12 : memref<!tpu.dma_semaphore, #tpu.memory_space<semaphore_mem>>) src(%dma_wait3A_165 : memref<128x128xf32, #tpu.memory_space<vmem>>) dst(%dma_wait3A_161 : memref<128x128xf32, #tpu.memory_space<hbm>>)
          } else {
          }
          %dma_wait3A = arith.constant 0 : i32
          %dma_wait3A_134 = tpu.memref_slice %arg8[%select_n3A_71, %dma_wait3A] : memref<3x128xi32, #tpu.memory_space<vmem>> -> memref<1x128xi32, #tpu.memory_space<vmem>>
          %dma_wait3A_135 = tpu.memref_squeeze %dma_wait3A_134 : memref<1x128xi32, #tpu.memory_space<vmem>> -> memref<128xi32, #tpu.memory_space<vmem>>
          %dma_wait3A_136 = arith.constant 0 : i32
          %dma_wait3A_137 = tpu.memref_slice %arg5[%dma_wait3A_136] : memref<160000xi32, #tpu.memory_space<hbm>> -> memref<128xi32, #tpu.memory_space<hbm>>
          %dma_wait3A_138 = arith.constant 0 : i32
          %dma_wait3A_139 = tpu.memref_slice %arg8[%select_n3A_71, %dma_wait3A_138] : memref<3x128xi32, #tpu.memory_space<vmem>> -> memref<1x128xi32, #tpu.memory_space<vmem>>
          %dma_wait3A_140 = tpu.memref_squeeze %dma_wait3A_139 : memref<1x128xi32, #tpu.memory_space<vmem>> -> memref<128xi32, #tpu.memory_space<vmem>>
          %dma_wait3A_141 = arith.constant 0 : i32
          %dma_wait3A_142 = tpu.memref_slice %arg5[%dma_wait3A_141] : memref<160000xi32, #tpu.memory_space<hbm>> -> memref<128xi32, #tpu.memory_space<hbm>>
          tpu.wait_dma2 semaphore(%arg10 : memref<!tpu.dma_semaphore, #tpu.memory_space<semaphore_mem>>) src(%dma_wait3A_142 : memref<128xi32, #tpu.memory_space<hbm>>) dst(%dma_wait3A_140 : memref<128xi32, #tpu.memory_space<vmem>>)
          %dma_start3A = arith.constant 0 : i32
          %dma_start3A_143 = arith.constant 0 : i32
          %dma_start3A_144 = tpu.memref_slice %arg9[%select_n3A_71, %dma_start3A, %dma_start3A_143] : memref<3x128x128xf32, #tpu.memory_space<vmem>> -> memref<1x128x128xf32, #tpu.memory_space<vmem>>
          %dma_start3A_145 = tpu.memref_squeeze %dma_start3A_144 : memref<1x128x128xf32, #tpu.memory_space<vmem>> -> memref<128x128xf32, #tpu.memory_space<vmem>>
          %dma_start3A_146 = arith.constant 0 : i32
          %dma_start3A_147 = tpu.memref_slice %arg8[%select_n3A_71, %dma_start3A_146] : memref<3x128xi32, #tpu.memory_space<vmem>> -> memref<1x128xi32, #tpu.memory_space<vmem>>
          %dma_start3A_148 = tpu.memref_squeeze %dma_start3A_147 : memref<1x128xi32, #tpu.memory_space<vmem>> -> memref<128xi32, #tpu.memory_space<vmem>>
          %dma_start3A_149 = arith.constant 0 : i32
          %dma_start3A_150 = arith.constant 0 : i32
          %dma_start3A_151 = tpu.memref_slice %arg3[%dma_start3A_149, %dma_start3A_150] : memref<10000x128xf32, #tpu.memory_space<hbm>> -> memref<10000x128xf32, #tpu.memory_space<hbm>>
          tpu.enqueue_indirect_dma source(%dma_start3A_151 : memref<10000x128xf32, #tpu.memory_space<hbm>>) target(%dma_start3A_145 : memref<128x128xf32, #tpu.memory_space<vmem>>) offsets(%dma_start3A_148 : memref<128xi32, #tpu.memory_space<vmem>>) semaphore(%arg11 : memref<!tpu.dma_semaphore, #tpu.memory_space<semaphore_mem>>)
        } else {
        }
        %ge3A = arith.constant 1 : i32
        %ge3A_102 = arith.cmpi sge, %add3A_59, %ge3A : i32
        %sub3A_103 = arith.constant 1 : i32
        %sub3A_104 = arith.subi %add3A_59, %sub3A_103 : i32
        %mul3A_105 = arith.constant 16 : i32
        %mul3A_106 = arith.muli %sub3A_104, %mul3A_105 : i32
        %add3A_107 = arith.addi %mul3A_106, %arg1 : i32
        %lt3A_108 = arith.constant 1250 : i32
        %lt3A_109 = arith.cmpi slt, %add3A_107, %lt3A_108 : i32
        %and3A_110 = arith.andi %ge3A_102, %lt3A_109 : i1
        %convert_element_type3A_111 = arith.extui %and3A_110 : i1 to i32
        %cond3A_112 = arith.constant 0 : i32
        %cond3A_113 = arith.cmpi ne, %convert_element_type3A_111, %cond3A_112 : i32
        scf.if %cond3A_113 {
          %dma_wait3A = arith.constant 0 : i32
          %dma_wait3A_129 = arith.constant 0 : i32
          %dma_wait3A_130 = tpu.memref_slice %arg9[%select_n3A_90, %dma_wait3A, %dma_wait3A_129] : memref<3x128x128xf32, #tpu.memory_space<vmem>> -> memref<1x128x128xf32, #tpu.memory_space<vmem>>
          %dma_wait3A_131 = tpu.memref_squeeze %dma_wait3A_130 : memref<1x128x128xf32, #tpu.memory_space<vmem>> -> memref<128x128xf32, #tpu.memory_space<vmem>>
          %dma_wait3A_132 = arith.constant 0 : i32
          %dma_wait3A_133 = tpu.memref_slice %arg8[%select_n3A_90, %dma_wait3A_132] : memref<3x128xi32, #tpu.memory_space<vmem>> -> memref<1x128xi32, #tpu.memory_space<vmem>>
          %dma_wait3A_134 = tpu.memref_squeeze %dma_wait3A_133 : memref<1x128xi32, #tpu.memory_space<vmem>> -> memref<128xi32, #tpu.memory_space<vmem>>
          %dma_wait3A_135 = arith.constant 0 : i32
          %dma_wait3A_136 = arith.constant 0 : i32
          %dma_wait3A_137 = tpu.memref_slice %arg3[%dma_wait3A_135, %dma_wait3A_136] : memref<10000x128xf32, #tpu.memory_space<hbm>> -> memref<10000x128xf32, #tpu.memory_space<hbm>>
          tpu.wait_indirect_dma semaphore(%arg11 : memref<!tpu.dma_semaphore, #tpu.memory_space<semaphore_mem>>) src(%dma_wait3A_137 : memref<10000x128xf32, #tpu.memory_space<hbm>>) dst(%dma_wait3A_131 : memref<128x128xf32, #tpu.memory_space<vmem>>)
          %sub3A_138 = arith.constant 1 : i32
          %sub3A_139 = arith.subi %add3A_59, %sub3A_138 : i32
          %mul3A_140 = arith.constant 16 : i32
          %mul3A_141 = arith.muli %sub3A_139, %mul3A_140 : i32
          %add3A_142 = arith.addi %mul3A_141, %arg1 : i32
          %mul3A_143 = arith.constant 128 : i32
          %mul3A_144 = arith.muli %add3A_142, %mul3A_143 : i32
          %dma_start3A = arith.constant 0 : i32
          %dma_start3A_145 = arith.constant 0 : i32
          %dma_start3A_146 = tpu.memref_slice %arg9[%select_n3A_90, %dma_start3A, %dma_start3A_145] : memref<3x128x128xf32, #tpu.memory_space<vmem>> -> memref<1x128x128xf32, #tpu.memory_space<vmem>>
          %dma_start3A_147 = tpu.memref_squeeze %dma_start3A_146 : memref<1x128x128xf32, #tpu.memory_space<vmem>> -> memref<128x128xf32, #tpu.memory_space<vmem>>
          %dma_start3A_148 = arith.constant 0 : i32
          %dma_start3A_149 = tpu.memref_slice %arg7[%mul3A_144, %dma_start3A_148] : memref<160000x128xf32, #tpu.memory_space<hbm>> -> memref<128x128xf32, #tpu.memory_space<hbm>>
          %dma_start3A_150 = arith.constant 0 : i32
          %dma_start3A_151 = tpu.memref_slice %arg7[%mul3A_144, %dma_start3A_150] : memref<160000x128xf32, #tpu.memory_space<hbm>> -> memref<128x128xf32, #tpu.memory_space<hbm>>
          %dma_start3A_152 = arith.constant 0 : i32
          %dma_start3A_153 = arith.constant 0 : i32
          %dma_start3A_154 = tpu.memref_slice %arg9[%select_n3A_90, %dma_start3A_152, %dma_start3A_153] : memref<3x128x128xf32, #tpu.memory_space<vmem>> -> memref<1x128x128xf32, #tpu.memory_space<vmem>>
          %dma_start3A_155 = tpu.memref_squeeze %dma_start3A_154 : memref<1x128x128xf32, #tpu.memory_space<vmem>> -> memref<128x128xf32, #tpu.memory_space<vmem>>
          tpu.enqueue_dma source(%dma_start3A_155 : memref<128x128xf32, #tpu.memory_space<vmem>>) target(%dma_start3A_151 : memref<128x128xf32, #tpu.memory_space<hbm>>) target_semaphore(%arg12 : memref<!tpu.dma_semaphore, #tpu.memory_space<semaphore_mem>>)
        } else {
        }
        %add3A_114 = arith.constant 2 : i32
        %add3A_115 = arith.addi %add3A_59, %add3A_114 : i32
        %lt3A_116 = arith.constant 79 : i32
        %lt3A_117 = arith.cmpi slt, %add3A_115, %lt3A_116 : i32
        %add3A_118 = arith.constant 2 : i32
        %add3A_119 = arith.addi %add3A_59, %add3A_118 : i32
        %mul3A_120 = arith.constant 16 : i32
        %mul3A_121 = arith.muli %add3A_119, %mul3A_120 : i32
        %add3A_122 = arith.addi %mul3A_121, %arg1 : i32
        %lt3A_123 = arith.constant 1250 : i32
        %lt3A_124 = arith.cmpi slt, %add3A_122, %lt3A_123 : i32
        %and3A_125 = arith.andi %lt3A_117, %lt3A_124 : i1
        %convert_element_type3A_126 = arith.extui %and3A_125 : i1 to i32
        %cond3A_127 = arith.constant 0 : i32
        %cond3A_128 = arith.cmpi ne, %convert_element_type3A_126, %cond3A_127 : i32
        scf.if %cond3A_128 {
          %add3A_129 = arith.constant 2 : i32
          %add3A_130 = arith.addi %add3A_59, %add3A_129 : i32
          %add3A_131 = arith.constant 2 : i32
          %add3A_132 = arith.addi %add3A_59, %add3A_131 : i32
          %jit3A_133 = arith.constant 3 : i32
          %eq3A_134 = arith.constant 0 : i32
          %eq3A_135 = arith.cmpi eq, %jit3A_133, %eq3A_134 : i32
          %jit3A_136 = arith.constant 1 : i32
          %select_n3A_137 = arith.select %eq3A_135, %jit3A_136, %jit3A_133 : i32
          %rem3A_138 = arith.remsi %add3A_132, %select_n3A_137 : i32
          %ne3A_139 = arith.constant 0 : i32
          %ne3A_140 = arith.cmpi ne, %rem3A_138, %ne3A_139 : i32
          %lt3A_141 = arith.constant 0 : i32
          %lt3A_142 = arith.cmpi slt, %rem3A_138, %lt3A_141 : i32
          %lt3A_143 = arith.constant 0 : i32
          %lt3A_144 = arith.cmpi slt, %select_n3A_137, %lt3A_143 : i32
          %ne3A_145 = arith.xori %lt3A_142, %lt3A_144 : i1
          %and3A_146 = arith.andi %ne3A_145, %ne3A_140 : i1
          %add3A_147 = arith.addi %rem3A_138, %select_n3A_137 : i32
          %select_n3A_148 = arith.select %and3A_146, %add3A_147, %rem3A_138 : i32
          %mul3A_149 = arith.constant 16 : i32
          %mul3A_150 = arith.muli %add3A_130, %mul3A_149 : i32
          %add3A_151 = arith.addi %mul3A_150, %arg1 : i32
          %mul3A_152 = arith.constant 128 : i32
          %mul3A_153 = arith.muli %add3A_151, %mul3A_152 : i32
          %dma_start3A = arith.constant 0 : i32
          %dma_start3A_154 = tpu.memref_slice %arg8[%select_n3A_148, %dma_start3A] : memref<3x128xi32, #tpu.memory_space<vmem>> -> memref<1x128xi32, #tpu.memory_space<vmem>>
          %dma_start3A_155 = tpu.memref_squeeze %dma_start3A_154 : memref<1x128xi32, #tpu.memory_space<vmem>> -> memref<128xi32, #tpu.memory_space<vmem>>
          %dma_start3A_156 = tpu.memref_slice %arg5[%mul3A_153] : memref<160000xi32, #tpu.memory_space<hbm>> -> memref<128xi32, #tpu.memory_space<hbm>>
          %dma_start3A_157 = arith.constant 0 : i32
          %dma_start3A_158 = tpu.memref_slice %arg8[%select_n3A_148, %dma_start3A_157] : memref<3x128xi32, #tpu.memory_space<vmem>> -> memref<1x128xi32, #tpu.memory_space<vmem>>
          %dma_start3A_159 = tpu.memref_squeeze %dma_start3A_158 : memref<1x128xi32, #tpu.memory_space<vmem>> -> memref<128xi32, #tpu.memory_space<vmem>>
          %dma_start3A_160 = tpu.memref_slice %arg5[%mul3A_153] : memref<160000xi32, #tpu.memory_space<hbm>> -> memref<128xi32, #tpu.memory_space<hbm>>
          tpu.enqueue_dma source(%dma_start3A_160 : memref<128xi32, #tpu.memory_space<hbm>>) target(%dma_start3A_159 : memref<128xi32, #tpu.memory_space<vmem>>) target_semaphore(%arg10 : memref<!tpu.dma_semaphore, #tpu.memory_space<semaphore_mem>>)
        } else {
        }
      }
      %scan3A_22 = arith.constant 80 : i32
      %add3A_23 = arith.constant 1200 : i32
      %add3A_24 = arith.addi %add3A_23, %arg1 : i32
      %lt3A_25 = arith.constant 1250 : i32
      %lt3A_26 = arith.cmpi slt, %add3A_24, %lt3A_25 : i32
      %add3A_27 = arith.constant 1248 : i32
      %add3A_28 = arith.addi %add3A_27, %arg1 : i32
      %lt3A_29 = arith.constant 1250 : i32
      %lt3A_30 = arith.cmpi slt, %add3A_28, %lt3A_29 : i32
      %not3A = arith.constant true
      %not3A_31 = arith.xori %lt3A_30, %not3A : i1
      %and3A = arith.andi %lt3A_26, %not3A_31 : i1
      %convert_element_type3A_32 = arith.extui %and3A : i1 to i32
      %cond3A_33 = arith.constant 0 : i32
      %cond3A_34 = arith.cmpi ne, %convert_element_type3A_32, %cond3A_33 : i32
      scf.if %cond3A_34 {
        %dma_wait3A = arith.constant 0 : i32
        %dma_wait3A_56 = arith.constant 0 : i32
        %dma_wait3A_57 = arith.constant 0 : i32
        %dma_wait3A_58 = tpu.memref_slice %arg9[%dma_wait3A, %dma_wait3A_56, %dma_wait3A_57] : memref<3x128x128xf32, #tpu.memory_space<vmem>> -> memref<1x128x128xf32, #tpu.memory_space<vmem>>
        %dma_wait3A_59 = tpu.memref_squeeze %dma_wait3A_58 : memref<1x128x128xf32, #tpu.memory_space<vmem>> -> memref<128x128xf32, #tpu.memory_space<vmem>>
        %dma_wait3A_60 = arith.constant 0 : i32
        %dma_wait3A_61 = arith.constant 0 : i32
        %dma_wait3A_62 = tpu.memref_slice %arg7[%dma_wait3A_60, %dma_wait3A_61] : memref<160000x128xf32, #tpu.memory_space<hbm>> -> memref<128x128xf32, #tpu.memory_space<hbm>>
        %dma_wait3A_63 = arith.constant 0 : i32
        %dma_wait3A_64 = arith.constant 0 : i32
        %dma_wait3A_65 = tpu.memref_slice %arg7[%dma_wait3A_63, %dma_wait3A_64] : memref<160000x128xf32, #tpu.memory_space<hbm>> -> memref<128x128xf32, #tpu.memory_space<hbm>>
        %dma_wait3A_66 = arith.constant 0 : i32
        %dma_wait3A_67 = arith.constant 0 : i32
        %dma_wait3A_68 = tpu.memref_slice %arg9[%dma_wait3A, %dma_wait3A_66, %dma_wait3A_67] : memref<3x128x128xf32, #tpu.memory_space<vmem>> -> memref<1x128x128xf32, #tpu.memory_space<vmem>>
        %dma_wait3A_69 = tpu.memref_squeeze %dma_wait3A_68 : memref<1x128x128xf32, #tpu.memory_space<vmem>> -> memref<128x128xf32, #tpu.memory_space<vmem>>
        tpu.wait_dma2 semaphore(%arg12 : memref<!tpu.dma_semaphore, #tpu.memory_space<semaphore_mem>>) src(%dma_wait3A_69 : memref<128x128xf32, #tpu.memory_space<vmem>>) dst(%dma_wait3A_65 : memref<128x128xf32, #tpu.memory_space<hbm>>)
      } else {
      }
      %add3A_35 = arith.constant 1216 : i32
      %add3A_36 = arith.addi %add3A_35, %arg1 : i32
      %lt3A_37 = arith.constant 1250 : i32
      %lt3A_38 = arith.cmpi slt, %add3A_36, %lt3A_37 : i32
      %convert_element_type3A_39 = arith.extui %lt3A_38 : i1 to i32
      %cond3A_40 = arith.constant 0 : i32
      %cond3A_41 = arith.cmpi ne, %convert_element_type3A_39, %cond3A_40 : i32
      scf.if %cond3A_41 {
        %dma_wait3A = arith.constant 1 : i32
        %dma_wait3A_56 = arith.constant 0 : i32
        %dma_wait3A_57 = arith.constant 0 : i32
        %dma_wait3A_58 = tpu.memref_slice %arg9[%dma_wait3A, %dma_wait3A_56, %dma_wait3A_57] : memref<3x128x128xf32, #tpu.memory_space<vmem>> -> memref<1x128x128xf32, #tpu.memory_space<vmem>>
        %dma_wait3A_59 = tpu.memref_squeeze %dma_wait3A_58 : memref<1x128x128xf32, #tpu.memory_space<vmem>> -> memref<128x128xf32, #tpu.memory_space<vmem>>
        %dma_wait3A_60 = arith.constant 0 : i32
        %dma_wait3A_61 = arith.constant 0 : i32
        %dma_wait3A_62 = tpu.memref_slice %arg7[%dma_wait3A_60, %dma_wait3A_61] : memref<160000x128xf32, #tpu.memory_space<hbm>> -> memref<128x128xf32, #tpu.memory_space<hbm>>
        %dma_wait3A_63 = arith.constant 0 : i32
        %dma_wait3A_64 = arith.constant 0 : i32
        %dma_wait3A_65 = tpu.memref_slice %arg7[%dma_wait3A_63, %dma_wait3A_64] : memref<160000x128xf32, #tpu.memory_space<hbm>> -> memref<128x128xf32, #tpu.memory_space<hbm>>
        %dma_wait3A_66 = arith.constant 0 : i32
        %dma_wait3A_67 = arith.constant 0 : i32
        %dma_wait3A_68 = tpu.memref_slice %arg9[%dma_wait3A, %dma_wait3A_66, %dma_wait3A_67] : memref<3x128x128xf32, #tpu.memory_space<vmem>> -> memref<1x128x128xf32, #tpu.memory_space<vmem>>
        %dma_wait3A_69 = tpu.memref_squeeze %dma_wait3A_68 : memref<1x128x128xf32, #tpu.memory_space<vmem>> -> memref<128x128xf32, #tpu.memory_space<vmem>>
        tpu.wait_dma2 semaphore(%arg12 : memref<!tpu.dma_semaphore, #tpu.memory_space<semaphore_mem>>) src(%dma_wait3A_69 : memref<128x128xf32, #tpu.memory_space<vmem>>) dst(%dma_wait3A_65 : memref<128x128xf32, #tpu.memory_space<hbm>>)
      } else {
      }
      %add3A_42 = arith.constant 1232 : i32
      %add3A_43 = arith.addi %add3A_42, %arg1 : i32
      %lt3A_44 = arith.constant 1250 : i32
      %lt3A_45 = arith.cmpi slt, %add3A_43, %lt3A_44 : i32
      %convert_element_type3A_46 = arith.extui %lt3A_45 : i1 to i32
      %cond3A_47 = arith.constant 0 : i32
      %cond3A_48 = arith.cmpi ne, %convert_element_type3A_46, %cond3A_47 : i32
      scf.if %cond3A_48 {
        %dma_wait3A = arith.constant 2 : i32
        %dma_wait3A_56 = arith.constant 0 : i32
        %dma_wait3A_57 = arith.constant 0 : i32
        %dma_wait3A_58 = tpu.memref_slice %arg9[%dma_wait3A, %dma_wait3A_56, %dma_wait3A_57] : memref<3x128x128xf32, #tpu.memory_space<vmem>> -> memref<1x128x128xf32, #tpu.memory_space<vmem>>
        %dma_wait3A_59 = tpu.memref_squeeze %dma_wait3A_58 : memref<1x128x128xf32, #tpu.memory_space<vmem>> -> memref<128x128xf32, #tpu.memory_space<vmem>>
        %dma_wait3A_60 = arith.constant 0 : i32
        %dma_wait3A_61 = arith.constant 0 : i32
        %dma_wait3A_62 = tpu.memref_slice %arg7[%dma_wait3A_60, %dma_wait3A_61] : memref<160000x128xf32, #tpu.memory_space<hbm>> -> memref<128x128xf32, #tpu.memory_space<hbm>>
        %dma_wait3A_63 = arith.constant 0 : i32
        %dma_wait3A_64 = arith.constant 0 : i32
        %dma_wait3A_65 = tpu.memref_slice %arg7[%dma_wait3A_63, %dma_wait3A_64] : memref<160000x128xf32, #tpu.memory_space<hbm>> -> memref<128x128xf32, #tpu.memory_space<hbm>>
        %dma_wait3A_66 = arith.constant 0 : i32
        %dma_wait3A_67 = arith.constant 0 : i32
        %dma_wait3A_68 = tpu.memref_slice %arg9[%dma_wait3A, %dma_wait3A_66, %dma_wait3A_67] : memref<3x128x128xf32, #tpu.memory_space<vmem>> -> memref<1x128x128xf32, #tpu.memory_space<vmem>>
        %dma_wait3A_69 = tpu.memref_squeeze %dma_wait3A_68 : memref<1x128x128xf32, #tpu.memory_space<vmem>> -> memref<128x128xf32, #tpu.memory_space<vmem>>
        tpu.wait_dma2 semaphore(%arg12 : memref<!tpu.dma_semaphore, #tpu.memory_space<semaphore_mem>>) src(%dma_wait3A_69 : memref<128x128xf32, #tpu.memory_space<vmem>>) dst(%dma_wait3A_65 : memref<128x128xf32, #tpu.memory_space<hbm>>)
      } else {
      }
      %add3A_49 = arith.constant 1248 : i32
      %add3A_50 = arith.addi %add3A_49, %arg1 : i32
      %lt3A_51 = arith.constant 1250 : i32
      %lt3A_52 = arith.cmpi slt, %add3A_50, %lt3A_51 : i32
      %convert_element_type3A_53 = arith.extui %lt3A_52 : i1 to i32
      %cond3A_54 = arith.constant 0 : i32
      %cond3A_55 = arith.cmpi ne, %convert_element_type3A_53, %cond3A_54 : i32
      scf.if %cond3A_55 {
        %dma_wait3A = arith.constant 0 : i32
        %dma_wait3A_56 = arith.constant 0 : i32
        %dma_wait3A_57 = arith.constant 0 : i32
        %dma_wait3A_58 = tpu.memref_slice %arg9[%dma_wait3A, %dma_wait3A_56, %dma_wait3A_57] : memref<3x128x128xf32, #tpu.memory_space<vmem>> -> memref<1x128x128xf32, #tpu.memory_space<vmem>>
        %dma_wait3A_59 = tpu.memref_squeeze %dma_wait3A_58 : memref<1x128x128xf32, #tpu.memory_space<vmem>> -> memref<128x128xf32, #tpu.memory_space<vmem>>
        %dma_wait3A_60 = arith.constant 0 : i32
        %dma_wait3A_61 = arith.constant 0 : i32
        %dma_wait3A_62 = tpu.memref_slice %arg7[%dma_wait3A_60, %dma_wait3A_61] : memref<160000x128xf32, #tpu.memory_space<hbm>> -> memref<128x128xf32, #tpu.memory_space<hbm>>
        %dma_wait3A_63 = arith.constant 0 : i32
        %dma_wait3A_64 = arith.constant 0 : i32
        %dma_wait3A_65 = tpu.memref_slice %arg7[%dma_wait3A_63, %dma_wait3A_64] : memref<160000x128xf32, #tpu.memory_space<hbm>> -> memref<128x128xf32, #tpu.memory_space<hbm>>
        %dma_wait3A_66 = arith.constant 0 : i32
        %dma_wait3A_67 = arith.constant 0 : i32
        %dma_wait3A_68 = tpu.memref_slice %arg9[%dma_wait3A, %dma_wait3A_66, %dma_wait3A_67] : memref<3x128x128xf32, #tpu.memory_space<vmem>> -> memref<1x128x128xf32, #tpu.memory_space<vmem>>
        %dma_wait3A_69 = tpu.memref_squeeze %dma_wait3A_68 : memref<1x128x128xf32, #tpu.memory_space<vmem>> -> memref<128x128xf32, #tpu.memory_space<vmem>>
        tpu.wait_dma2 semaphore(%arg12 : memref<!tpu.dma_semaphore, #tpu.memory_space<semaphore_mem>>) src(%dma_wait3A_69 : memref<128x128xf32, #tpu.memory_space<vmem>>) dst(%dma_wait3A_65 : memref<128x128xf32, #tpu.memory_space<hbm>>)
      } else {
      }
    } else {
    }
    return
  }
}

</mosaic_0001>

<sc_bundles>
// kernel: _sc_gather.3.cloned.1.call-start
scs
__scs_entry_jumppad:
0x0: {  	(pc) =	sbr.rel $0x88, $3  }
0x1: {  	(tag) =	ssettag $0x0;
	lr =	simm.s32 $0x1  }
0x2: {  	[smem:$0x3F9D] =	sst lr;
	_ =	strace $0xD0000000  }
0x3: {  	_ = 	snop  }
0x4: {  	_ = 	snop  }
0x5: {  	_ = 	snop  }
0x6: {  	_ = 	snop  }
0x7: {  	_ = 	snop  }
__scs_overlays_trampoline_lowered:
0x8: {  	[smem:$0x3FAC] =	sst s0  }
0x9: {  	[smem:$0x3FAD] =	sst s1  }
0xa: {  	[smem:$0x3FAE] =	sst s2  }
0xb: {  	[smem:$0x3FAF] =	sst s3  }
0xc: {  	[smem:$0x3FB0] =	sst s4  }
0xd: {  	[smem:$0x3FB1] =	sst s5  }
0xe: {  	[smem:$0x3FB2] =	sst s6  }
0xf: {  	[smem:$0x3FB3] =	sst s7  }
0x10: {  	[smem:$0x3FB4] =	sst s8  }
0x11: {  	[smem:$0x3FB5] =	sst s9;
	s0 =	simm.s32 @!p0 $0x0  }
0x12: {  	s1 =	sld [smem:$0x3F9B];
	s0 =	simm.s32 @p0 $0x1  }
0x13: {  	[smem:$0x3FB6] =	sst s0;
	s0 =	simm.s32 @!p1 $0x0  }
0x14: {  	s2 =	sld [smem:$0x3F9A];
	s0 =	simm.s32 @p1 $0x1  }
0x15: {  	[smem:$0x3FB7] =	sst s0;
	s0 =	simm.s32 @!p2 $0x0  }
0x16: {  	s3 =	sld [smem:$0x3FDB];
	s0 =	simm.s32 @p2 $0x1  }
0x17: {  	s4 =	simm.s32 $0x1BF5;
	[smem:$0x3FB9] =	sst s0  }
0x18: {  	s0 =	sld [smem:$0x3F9C];
	_ =	swait.ge [sflag:s4], $0x0  }
0x19: {  	s7 =	sld [smem:$0x3F9D]  }
0x1a: {  	s8 =	sadd.s32 $0xFFFFE003, lr  }
0x1b: {  	s9 =	sadd.s32 $0xFFFFFEF7, lr;
	s5 =	simm.s32 $0xFFFFFFFF;
	p2 =	slt.u32 s8, $0xFFFFF086  }
0x1c: {  	p1 =	slt.u32 s9, $0xF7A;
	s5 =	simm.s32 @!p2 $0x0  }
0x1d: {  	s5 =	simm.s32 @p1 $0x1;
	p0 =	seq.s32 s7, s2  }
0x1e: {  	s7 =	smul.u32 @!p0 $0xF7A, s2;
	p2 =	seq.s32 @!p0 s5, $0x0  }
0x1f: {  	s9 =	smul.u32 $0xF7A, s1;
	s8 =	simm.s32 @!p0 $0x1BF5;
	p2 =	por !p2, p0  }
0x20: {  	[sflag:s8] =	ssyncset.s32 @!p0 $0xFFFFF086;
	s6 =	sadd.s32 @!p0 s3, s7;
	s7 =	simm.s32 @!p0 $0x108  }
0x21: {  	s3 =	sadd.s32 s3, s9;
	s6 =	sadd.s32 @!p0 $0x88, s6;
	s7 =	simm.s32 @p2 $0x1082  }
0x22: {  	[simem:s7], [sflag:s8] =	dma.local @!p0 [hbm:s6], $0xF7A  }
0x23: {  	s9 =	sor.u32 $0xD0000000, s2;
	s6 =	simm.s32 $0x108;
	_ =	swait.ge @!p0 [sflag:s8], $0x0  }
0x24: {  	s3 =	sadd.s32 $0x88, s3;
	s6 =	simm.s32 @!p1 $0x1082;
	[sflag:s4] =	ssyncset.s32 $0xFFFFF086  }
0x25: {  	[simem:s6], [sflag:s4] =	dma.local [hbm:s3], $0xF7A  }
0x26: {  	[smem:$0x3F9D] =	sst s1;
	(tag) =	ssettag s2;
	_ =	strace s9  }
0x27: {  	s1 =	sld [smem:$0x3FAD]  }
0x28: {  	s2 =	sld [smem:$0x3FAE]  }
0x29: {  	s4 =	sld [smem:$0x3FB0]  }
0x2a: {  	p0 =	seq.s32 s5, $0x0;
	s5 =	sld [smem:$0x3FB1]  }
0x2b: {  	s6 =	sld [smem:$0x3FB2]  }
0x2c: {  	s7 =	sld [smem:$0x3FB3]  }
0x2d: {  	s3 =	simm.s32 $0x108;
	s8 =	sld [smem:$0x3FB4]  }
0x2e: {  	s3 =	simm.s32 @!p0 $0x1082;
	s9 =	sld [smem:$0x3FB5]  }
0x2f: {  	lr =	sadd.s32 s0, s3;
	s0 =	sld [smem:$0x3FAC]  }
0x30: {  	s3 =	sld [smem:$0x3FAF]  }
0x31: {  	[smem:$0x3FB8] =	sst s10  }
0x32: {  	s10 =	sld [smem:$0x3FB6];
	_ =	sdelay $0x3  }
0x33: {  	p0 =	seq.s32 s10, $0x1;
	s10 =	sld [smem:$0x3FB8];
	_ =	sdelay $0x3  }
0x34: {  	[smem:$0x3FB8] =	sst s10  }
0x35: {  	s10 =	sld [smem:$0x3FB7];
	_ =	sdelay $0x3  }
0x36: {  	p1 =	seq.s32 s10, $0x1;
	s10 =	sld [smem:$0x3FB8];
	_ =	sdelay $0x3  }
0x37: {  	[smem:$0x3FB8] =	sst s10  }
0x38: {  	s10 =	sld [smem:$0x3FB9]  }
0x39: {  	_ = 	snop;
	(pc) =	sbr.ind lr, $3  }
0x3a: {  	_ = 	snop  }
0x3b: {  	_ = 	snop  }
0x3c: {  	p2 =	seq.s32 s10, $0x1;
	s10 =	sld [smem:$0x3FB8]  }
0x3d: {  	_ =	shalt  }
0x3e: {  	_ =	shalt  }
0x3f: {  	_ =	shalt  }
0x40: {  	_ =	shalt  }
0x41: {  	_ =	shalt  }
0x42: {  	_ =	shalt  }
0x43: {  	_ =	shalt  }
0x44: {  	_ =	shalt  }
0x45: {  	_ =	shalt  }
0x46: {  	_ =	shalt  }
0x47: {  	_ =	shalt  }
0x48: {  	_ =	shalt  }
0x49: {  	_ =	shalt  }
0x4a: {  	_ =	shalt  }
0x4b: {  	_ =	shalt  }
0x4c: {  	_ =	shalt  }
0x4d: {  	_ =	shalt  }
0x4e: {  	_ =	shalt  }
0x4f: {  	_ =	shalt  }
0x50: {  	_ =	shalt  }
0x51: {  	_ =	shalt  }
0x52: {  	_ =	shalt  }
0x53: {  	_ =	shalt  }
0x54: {  	_ =	shalt  }
0x55: {  	_ =	shalt  }
0x56: {  	_ =	shalt  }
0x57: {  	_ =	shalt  }
0x58: {  	_ =	shalt  }
0x59: {  	_ =	shalt  }
0x5a: {  	_ =	shalt  }
0x5b: {  	_ =	shalt  }
0x5c: {  	_ =	shalt  }
0x5d: {  	_ =	shalt  }
0x5e: {  	_ =	shalt  }
0x5f: {  	_ =	shalt  }
0x60: {  	_ =	shalt  }
0x61: {  	_ =	shalt  }
0x62: {  	_ =	shalt  }
0x63: {  	_ =	shalt  }
0x64: {  	_ =	shalt  }
0x65: {  	_ =	shalt  }
0x66: {  	_ =	shalt  }
0x67: {  	_ =	shalt  }
0x68: {  	_ =	shalt  }
0x69: {  	_ =	shalt  }
0x6a: {  	_ =	shalt  }
0x6b: {  	_ =	shalt  }
0x6c: {  	_ =	shalt  }
0x6d: {  	_ =	shalt  }
0x6e: {  	_ =	shalt  }
0x6f: {  	_ =	shalt  }
0x70: {  	_ =	shalt  }
0x71: {  	_ =	shalt  }
0x72: {  	_ =	shalt  }
0x73: {  	_ =	shalt  }
0x74: {  	_ =	shalt  }
0x75: {  	_ =	shalt  }
0x76: {  	_ =	shalt  }
0x77: {  	_ =	shalt  }
0x78: {  	_ =	shalt  }
0x79: {  	_ =	shalt  }
0x7a: {  	_ =	shalt  }
0x7b: {  	_ =	shalt  }
0x7c: {  	_ =	shalt  }
0x7d: {  	_ =	shalt  }
0x7e: {  	_ =	shalt  }
0x7f: {  	_ =	shalt  }
0x80: {  	_ =	shalt  }
0x81: {  	_ =	shalt  }
0x82: {  	_ =	shalt  }
0x83: {  	_ =	shalt  }
0x84: {  	_ =	shalt  }
0x85: {  	_ =	shalt  }
0x86: {  	_ =	shalt  }
0x87: {  	_ =	shalt  }
.Lfunc_end0:
.L_simem_size_0:
called_computation_lowered:
.L_overlay_start_0:
0x88: {  	s2 =	sld [smem:$0x3FD9]  }
0x89: {  	s3 =	sld [smem:$0x3FFE];
	_ =	sdelay $0x1  }
0x8a: {  	s1 =	srdreg.scid  }
0x8b: {  	s0 =	sand.u32 $0x1, s1  }
0x8c: {  	s15 =	sshll.u32 s0, $0xA;
	s2 =	sadd.s32 s3, s2  }
0x8d: {  	s2 =	sadd.s32 s2, s15  }
0x8e: {  	[smem:$0x3FC4] =	sst s2  }
0x8f: {  	_ = 	snop  }
0x90: {  	s2 =	sld [smem:$0x3FC9]  }
0x91: {  	s16 =	sld [smem:$0x3FD0]  }
0x92: {  	s4 =	sld [smem:$0x3FC8]  }
0x93: {  	s5 =	sld [smem:$0x3FC7]  }
0x94: {  	s7 =	simm.s32 $0xA;
	s8 =	simm.s32 $0x10;
	s6 =	sld [smem:$0x3FC6]  }
0x95: {  	[smem:s8], [sflag:s7] =	dma.local [hbm:s16], $0x1  }
0x96: {  	_ =	swait.eq [sflag:s7], $0x1  }
0x97: {  	[sflag:s7] =	ssyncset.done $0x0  }
0x98: {  	s17 =	sld [smem:$0x10];
	[sflag:s7] =	ssyncadd.s32 $0xFFFFFFFF  }
0x99: {  	s18 =	sld [smem:$0x11];
	(tm) =	ssettm $0x1  }
0x9a: {  	s19 =	sld [smem:$0x3FFB];
	_ =	sdelay $0x3  }
0x9b: {  	_ =	strace s19  }
0x9c: {  	s8 =	sld [smem:$0x3FFC];
	_ =	sdelay $0x3  }
0x9d: {  	_ =	strace s8  }
0x9e: {  	s8 =	sld [smem:$0x3FFD];
	_ =	sdelay $0x3  }
0x9f: {  	_ =	strace s8  }
0xa0: {  	_ =	strace $0x8FFFFFFF  }
0xa1: {  	s20 =	sld [smem:$0x3FDB];
	_ =	sdelay $0x1  }
0xa2: {  	s9 =	simm.s32 $_scs_section_size  }
0xa3: {  	s10 =	simm.s32 $_size__tile_overlayer_lowered;
	s11 =	simm.s32 $_tile_overlayer_lowered  }
0xa4: {  	s23 =	simm.s32 $0x1BFF;
	s22 =	sshll.u32 s11, $0x1;
	s8 =	sadd.s32 s9, s20  }
0xa5: {  	s12 =	simm.s32 $0x0;
	s21 =	sshll.u32 s10, $0x1;
	s10 =	sadd.s32 s22, s8  }
0xa6: {  	[timem:s12], [sflag:s23] =	dma.local [hbm:s10], s21  }
0xa7: {  	_ =	swait.ge [sflag:s23], s21  }
0xa8: {  	s9 =	ssub.s32 $0x0, s21;
	[sflag:s23] =	ssyncset.done $0x0  }
0xa9: {  	[sflag:s23] =	ssyncadd.s32 s9;
	_ =	sdelay $0x1  }
0xaa: {  	s24 =	simm.s32 $0x1B8B  }
0xab: {  	_ =	swait.ge [sflag:s24], $0x1  }
0xac: {  	[sflag:s24] =	ssyncset.done $0x0  }
0xad: {  	s25 =	simm.s32 $0x1B8E;
	[sflag:s24] =	ssyncadd.s32 $0xFFFFFFFF  }
0xae: {  	s26 =	simm.s32 $execute0_lowered;
	[smem:$0x3FD2] =	sst s25  }
0xaf: {  	s9 =	sshll.u32 s26, $0x1;
	_ =	strace $0x80000046;
	[dreg:$0x1] =	wrdreg $0xFFFFFFFF  }
0xb0: {  	s28 =	simm.s32 $_size_execute0_lowered;
	s8 =	sadd.s32 s8, s9;
	[dreg:$0x0] =	wrdreg $0x0  }
0xb1: {  	s9 =	sshll.u32 s28, $0x1;
	[dreg:$0x2] =	wrdreg s8  }
0xb2: {  	[dreg:$0x3] =	wrdreg s9  }
0xb3: {  	[dreg:$0x4] =	wrdreg $0xC0  }
0xb4: {  	_ =	task [dreg:s12], $0x5FFFF  }
0xb5: {  	[dreg:$0x1] =	wrdreg $0xFFFFFFFF  }
0xb6: {  	[dreg:$0x0] =	wrdreg $0x60  }
0xb7: {  	[dreg:$0x2] =	wrdreg s2  }
0xb8: {  	[dreg:$0x3] =	wrdreg s4  }
0xb9: {  	[dreg:$0x4] =	wrdreg s5  }
0xba: {  	[dreg:$0x5] =	wrdreg s6  }
0xbb: {  	[dreg:$0x6] =	wrdreg s17  }
0xbc: {  	[dreg:$0x7] =	wrdreg s18  }
0xbd: {  	[dreg:$0x8] =	wrdreg $0x9  }
0xbe: {  	_ =	task.clear_ibuf [dreg:s12], $0x9FFFF;
	_ =	strace $0x90000046  }
0xbf: {  	s29 =	simm.s32 $0x9;
	_ =	strace $0x80000048  }
0xc0: {  	_ =	swait.ge [sflag:s29], $0x1  }
0xc1: {  	[sflag:s29] =	ssyncadd.s32 $0xFFFFFFFF  }
0xc2: {  	_ =	strace $0x90000048  }
0xc3: {  	_ =	sfence  }
0xc4: {  	s30 =	sld [smem:$0x0];
	_ =	sdelay $0x2  }
0xc5: {  	s31 =	sshll.u32 s1, $0xD;
	s1 =	sshrl.u32 s1, $0x2  }
0xc6: {  	s3 =	sand.u32 $0x4000, s31;
	s1 =	sadd.s32 s1, s30  }
0xc7: {  	s0 =	sor.u32 s3, s0;
	s1 =	sshll.u32 s1, $0x11  }
0xc8: {  	s0 =	sor.u32 s1, s0  }
0xc9: {  	s0 =	sadd.s32 $0x8F2B, s0  }
0xca: {  	[sflag:s0] =	ssyncadd.remote.s32 $0x1  }
0xcb: {  	_ =	sfence.sel $0xFFFF  }
0xcc: {  	[dreg:$0x0] =	wrdreg $0xFFFFFFFF;
	(pc) =	sbr.abs _section_cstart, $3  }
0xcd: {  	[dreg:$0x1] =	wrdreg $0xFFFFFFFF  }
0xce: {  	_ =	task.clear_ibuf [dreg:s12], $0x2FFFF;
	_ =	strace $0x9FFFFFFF  }
0xcf: {  	(tm) =	ssettm $0x7FFFFFFF  }
tec
execute0_lowered:
.L_overlay_start_1:
0x0: {  	(tag) =	ssettag $0x1  }
0x1: {  	s0 =	rddreg [dreg:$0x0]  }
0x2: {  	s29 =	rddreg [dreg:$0x1]  }
0x3: {  	s3 =	rddreg [dreg:$0x2]  }
0x4: {  	s6 =	rddreg [dreg:$0x3]  }
0x5: {  	s30 =	rddreg [dreg:$0x4]  }
0x6: {  	s31 =	rddreg [dreg:$0x5]  }
0x7: {  	[dreg:$0x7] =	wrdreg s0  }
0x8: {  	[dreg:$0x9] =	wrdreg s29  }
0x9: {  	s4 =	srdreg.scid;
	[dreg:$0x8] =	wrdreg s30  }
0xa: {  	s2 =	simm.s32 $0x0;
	s1 =	stileid.u32;
	[dreg:$0xa] =	wrdreg s31  }
0xb: {  	s12 =	simm.s32 $0x80;
	s13 =	simm.s32 $0x3;
	s0 =	rddreg [dreg:$0x6]  }
0xc: {  	s4 =	sand.u32 $0x1, s4;
	[smem:$0x7FF] =	sst s2;
	s7 =	sshll.u32 s1, $0x4  }
0xd: {  	s9 =	sshll.u32 s1, $0xB;
	p1 =	slt.u32 s1, $0x2;
	p2 =	sgt.u32 s1, $0x1  }
.Ltmp0:
0xe: {  	s5 =	ssub.s32 $0x2, s4;
	_ =	strace $0x80000047;
	(pc) =	sbr.rel .LBB2_1-.Ltmp0, $4  }
0xf: {  	s3 =	sadd.s32 s3, s7;
	p0 =	seq.s32 s4, $0x1;
	s6 =	sadd.s32 s6, s7  }
0x10: {  	s9 =	sor.u32 $0xFFFF8000, s9;
	s8 =	sshrl.u32 s5, $0x1;
	s4 =	sadd.s32 $0x100, s3  }
0x11: {  	s7 =	sadd.s32 $0x100, s6;
	s10 =	sadd.s32 $0x200, s3;
	s8 =	ssub.s32 s5, s8  }
0x12: {  	s11 =	sadd.s32 $0x200, s6;
	s5 =	ssub.s32 $0x4E2, s1;
	s8 =	smax.u32 s8, $0x1  }
.LBB2_8:
0x13: {  	_ =	swait.ge [sflag:s13], $0x4000  }
0x14: {  	[sflag:s13] =	ssyncset.done $0x0  }
0x15: {  	[sflag:s13] =	ssyncadd.s32 $0xFFFFC000  }
.LBB2_9:
0x16: {  	s2 =	sadd.s32 $0x1, s2  }
0x17: {  	p3 =	sne.s32 s2, s8  }
.Ltmp1:
0x18: {  	_ = 	snop;
	(pc) =	sbr.rel @!p3 .LBB2_10-.Ltmp1, $1  }
0x19: {  	_ =	sdelay $0x3  }
.LBB2_1:
.Ltmp2:
0x1a: {  	(pc) =	sbr.rel @!p0 .LBB2_2-.Ltmp2, $2  }
0x1b: {  	_ =	sdelay $0x2  }
0x1c: {  	s14 =	simm.s32 $0x0  }
0x1d: {  	[tilespmem:s14], [sflag:$0x1] =	stream.linear.gather [hbm4b:s6+s14], $0x80, $0x38;
	[tilespmem:$0xC200] =	vst v63  }
0x1e: {  	s30 =	simm.s32 $0x2;
	p3 =	sle.u32 s5, $0x0;
	s18 =	sadd.s32 $0x0, s1  }
0x1f: {  	[tilespmem:s12], [sflag:$0x1] =	stream.linear.gather [hbm4b:s7+s14], $0x80, $0x38;
	[tilespmem:$0xC200] =	vst v63  }
0x20: {  	p4 =	por @!p3 $0x1, $0x1;
	s15 =	simm.s32 @!p3 $0x80;
	s14 =	smul.u32 $0xAB, s30  }
0x21: {  	s19 =	sadd.s32 $0xFFFFFFF0, s18;
	s31 =	sadd.s32 $0x20, s18;
	p5 =	por p4, p3  }
0x22: {  	s18 =	sadd.s32 $0x100, s11;
	s17 =	simm.s32 @!p5 $0x3;
	s16 =	sadd.s32 $0xFFFFFEAA, s14  }
0x23: {  	p4 =	por $0x1, $0x1;
	_ =	swait.ge @!p5 [sflag:s17], $0x4000;
	s16 =	sshrl.u32 s16, $0x9  }
0x24: {  	s14 =	sshrl.u32 s14, $0x9;
	[sflag:s17] =	ssyncset.done @!p5 $0x0;
	s16 =	sand.u32 $0x7F, s16  }
0x25: {  	s14 =	sand.u32 $0x7F, s14;
	[sflag:s17] =	ssyncadd.s32 @!p5 $0xFFFFC000;
	s16 =	smul.u32 $0x3, s16  }
0x26: {  	s17 =	simm.s32 @!p3 $0x1;
	s14 =	smul.u32 $0x3, s14;
	p5 =	sgt.s32 @!p4 s19, $0x4E1  }
0x27: {  	_ =	swait.ge @!p3 [sflag:s17], $0x80;
	p4 =	por p5, p4;
	s16 =	ssub.s32 $0x0, s16  }
0x28: {  	[sflag:s17] =	ssyncset.done @!p3 $0x0;
	s20 =	rddreg [dreg:$0x9];
	s16 =	sand.u32 $0xFF, s16  }
0x29: {  	s14 =	ssub.s32 $0x2, s14;
	[sflag:s17] =	ssyncadd.s32 @!p3 $0xFFFFFF80;
	s17 =	sshll.u32 @!p3 s16, $0xE  }
0x2a: {  	s19 =	sand.u32 $0xFF, s14;
	s16 =	sshll.u32 @!p3 s16, $0x7;
	s17 =	sor.u32 @!p3 $0x200, s17  }
0x2b: {  	[tilespmem:s17], [sflag:$0x2] =	stream.indirect.gather @!p3 [hbm4b:s20+s15], $0x80, s16, s15, $0xb8;
	[tilespmem:$0xC200] =	vst v63  }
0x2c: {  	s21 =	simm.s32 @!p4 $0x2;
	s15 =	sshll.u32 @!p4 s19, $0xE;
	s16 =	sand.u32 @!p4 $0x1FFFF800, s9  }
0x2d: {  	p3 =	sgt.u32 s31, $0x4E1;
	s17 =	smov.u32 s11;
	_ =	swait.ge @!p4 [sflag:s21], $0x4000  }
0x2e: {  	s15 =	sor.u32 @!p4 $0x200, s15;
	s14 =	rddreg [dreg:$0xa];
	[sflag:s21] =	ssyncset.done @!p4 $0x0  }
0x2f: {  	[sflag:s21] =	ssyncadd.s32 @!p4 $0xFFFFC000;
	s14 =	sadd.s32 @!p4 s14, s16;
	s16 =	simm.s32 @!p4 $0x0  }
0x30: {  	[hbm4b:s14+s16] =	stream.linear.scatter @!p4 [tilespmem:s15], [sflag:$0x3], $0x4000, $0x38;
	[tilespmem:$0xC200] =	vst v63  }
0x31: {  	s14 =	simm.s32 $0x10;
	s15 =	sadd.s32 $0x8000, s9;
	s16 =	simm.s32 $0x3  }
.LBB2_6:
0x32: {  	s19 =	sshll.u32 @!p3 s19, $0x7;
	s20 =	simm.s32 @!p3 $0x0;
	s21 =	smov.u32 s14  }
0x33: {  	s14 =	sadd.s32 $0x10, s14;
	s22 =	smov.u32 s17;
	s17 =	smov.u32 s18  }
0x34: {  	[tilespmem:s19], [sflag:$0x1] =	stream.linear.gather @!p3 [hbm4b:s22+s20], $0x80, $0x38;
	[tilespmem:$0xC200] =	vst v63  }
0x35: {  	s31 =	smul.u32 $0xAB, s16;
	s18 =	sadd.s32 $0x100, s18;
	s19 =	sadd.s32 $0xFFFFFFFE, s16  }
0x36: {  	p3 =	sge.u32 s21, s5;
	p4 =	seq.s32 s21, $0x0;
	s21 =	sadd.s32 s21, s1  }
0x37: {  	p5 =	slt.u32 @!p3 s19, $0x3;
	s22 =	simm.s32 @!p3 $0x80;
	s23 =	sadd.s32 $0xFFFFFEAA, s31  }
0x38: {  	s20 =	sshrl.u32 s31, $0x9;
	s25 =	sadd.s32 $0xFFFFFFF0, s21;
	p5 =	por p5, p3  }
0x39: {  	s23 =	sshrl.u32 s23, $0x9;
	s20 =	sand.u32 $0x7F, s20;
	s24 =	simm.s32 @!p5 $0x3  }
0x3a: {  	s23 =	sand.u32 $0x7F, s23;
	s20 =	smul.u32 $0x3, s20;
	_ =	swait.ge @!p5 [sflag:s24], $0x4000  }
0x3b: {  	s21 =	sadd.s32 $0x20, s21;
	s23 =	smul.u32 $0x3, s23;
	[sflag:s24] =	ssyncset.done @!p5 $0x0  }
0x3c: {  	s20 =	ssub.s32 s16, s20;
	s16 =	sadd.s32 $0x1, s16;
	[sflag:s24] =	ssyncadd.s32 @!p5 $0xFFFFC000  }
0x3d: {  	s24 =	simm.s32 @!p3 $0x1;
	s23 =	ssub.s32 s19, s23;
	s19 =	sand.u32 $0xFF, s20  }
0x3e: {  	p5 =	sgt.s32 @!p4 s25, $0x4E1;
	_ =	swait.ge @!p3 [sflag:s24], $0x80;
	s23 =	sand.u32 $0xFF, s23  }
0x3f: {  	p4 =	por p5, p4;
	p5 =	sne.s32 s14, $0x500;
	[sflag:s24] =	ssyncset.done @!p3 $0x0  }
0x40: {  	[sflag:s24] =	ssyncadd.s32 @!p3 $0xFFFFFF80;
	s24 =	sshll.u32 @!p3 s23, $0x7;
	s23 =	sshll.u32 @!p3 s23, $0xE  }
0x41: {  	s20 =	rddreg [dreg:$0x9];
	s26 =	sshll.u32 @!p4 s19, $0xE;
	s23 =	sor.u32 @!p3 $0x200, s23  }
0x42: {  	[tilespmem:s23], [sflag:$0x2] =	stream.indirect.gather @!p3 [hbm4b:s20+s22], $0x80, s24, s22, $0xb8;
	[tilespmem:$0xC200] =	vst v63  }
.Ltmp3:
0x43: {  	s25 =	simm.s32 @!p4 $0x2;
	s20 =	sor.u32 @!p4 $0x200, s26;
	(pc) =	sbr.rel @p5 .LBB2_6-.Ltmp3, $4  }
0x44: {  	s23 =	sand.u32 @!p4 $0x1FFFF800, s15;
	s15 =	sadd.s32 $0x8000, s15;
	_ =	swait.ge @!p4 [sflag:s25], $0x4000  }
0x45: {  	p3 =	sgt.u32 s21, $0x4E1;
	[sflag:s25] =	ssyncset.done @!p4 $0x0;
	s22 =	rddreg [dreg:$0xa]  }
0x46: {  	[sflag:s25] =	ssyncadd.s32 @!p4 $0xFFFFC000;
	s22 =	sadd.s32 @!p4 s22, s23;
	s23 =	simm.s32 @!p4 $0x0  }
0x47: {  	[hbm4b:s22+s23] =	stream.linear.scatter @!p4 [tilespmem:s20], [sflag:$0x3], $0x4000, $0x38;
	[tilespmem:$0xC200] =	vst v63  }
0x48: {  	s14 =	sshll.u32 @!p3 s19, $0x7;
	s15 =	simm.s32 @!p3 $0x0  }
0x49: {  	[tilespmem:s14], [sflag:$0x1] =	stream.linear.gather @!p3 [hbm4b:s17+s15], $0x80, $0x38;
	[tilespmem:$0xC200] =	vst v63  }
0x4a: {  	s14 =	simm.s32 @!p1 $0x3  }
0x4b: {  	_ =	swait.ge @!p1 [sflag:s14], $0x4000  }
0x4c: {  	[sflag:s14] =	ssyncset.done @!p1 $0x0  }
0x4d: {  	[sflag:s14] =	ssyncadd.s32 @!p1 $0xFFFFC000  }
0x4e: {  	_ =	swait.ge [sflag:s13], $0x4000  }
.Ltmp4:
0x4f: {  	[sflag:s13] =	ssyncset.done $0x0;
	(pc) =	sbr.rel @p2 .LBB2_9-.Ltmp4, $4  }
.Ltmp5:
0x50: {  	[sflag:s13] =	ssyncadd.s32 $0xFFFFC000;
	(pc) =	sbr.rel @!p2 .LBB2_8-.Ltmp5, $4  }
0x51: {  	_ =	swait.ge [sflag:s13], $0x4000  }
0x52: {  	[sflag:s13] =	ssyncset.done $0x0  }
0x53: {  	[sflag:s13] =	ssyncadd.s32 $0xFFFFC000  }
0x54: {  	_ = 	snop  }
.LBB2_2:
0x55: {  	[tilespmem:s14], [sflag:$0x1] =	stream.linear.gather [hbm4b:s3+s14], $0x80, $0x38;
	[tilespmem:$0xC200] =	vst v63  }
0x56: {  	s30 =	simm.s32 $0x2;
	p3 =	sle.u32 s5, $0x0;
	s18 =	sadd.s32 $0x0, s1  }
0x57: {  	[tilespmem:s12], [sflag:$0x1] =	stream.linear.gather [hbm4b:s4+s14], $0x80, $0x38;
	[tilespmem:$0xC200] =	vst v63  }
0x58: {  	p4 =	por @!p3 $0x1, $0x1;
	s15 =	simm.s32 @!p3 $0x80;
	s14 =	smul.u32 $0xAB, s30  }
0x59: {  	s19 =	sadd.s32 $0xFFFFFFF0, s18;
	s31 =	sadd.s32 $0x20, s18;
	p5 =	por p4, p3  }
0x5a: {  	s18 =	sadd.s32 $0x100, s10;
	s17 =	simm.s32 @!p5 $0x3;
	s16 =	sadd.s32 $0xFFFFFEAA, s14  }
0x5b: {  	p4 =	por $0x1, $0x1;
	_ =	swait.ge @!p5 [sflag:s17], $0x4000;
	s16 =	sshrl.u32 s16, $0x9  }
0x5c: {  	s14 =	sshrl.u32 s14, $0x9;
	[sflag:s17] =	ssyncset.done @!p5 $0x0;
	s16 =	sand.u32 $0x7F, s16  }
0x5d: {  	s14 =	sand.u32 $0x7F, s14;
	[sflag:s17] =	ssyncadd.s32 @!p5 $0xFFFFC000;
	s16 =	smul.u32 $0x3, s16  }
0x5e: {  	s17 =	simm.s32 @!p3 $0x1;
	s14 =	smul.u32 $0x3, s14;
	p5 =	sgt.s32 @!p4 s19, $0x4E1  }
0x5f: {  	_ =	swait.ge @!p3 [sflag:s17], $0x80;
	p4 =	por p5, p4;
	s16 =	ssub.s32 $0x0, s16  }
0x60: {  	[sflag:s17] =	ssyncset.done @!p3 $0x0;
	s20 =	rddreg [dreg:$0x7];
	s16 =	sand.u32 $0xFF, s16  }
0x61: {  	s14 =	ssub.s32 $0x2, s14;
	[sflag:s17] =	ssyncadd.s32 @!p3 $0xFFFFFF80;
	s17 =	sshll.u32 @!p3 s16, $0xE  }
0x62: {  	s19 =	sand.u32 $0xFF, s14;
	s16 =	sshll.u32 @!p3 s16, $0x7;
	s17 =	sor.u32 @!p3 $0x200, s17  }
0x63: {  	[tilespmem:s17], [sflag:$0x2] =	stream.indirect.gather @!p3 [hbm4b:s20+s15], $0x80, s16, s15, $0xb8;
	[tilespmem:$0xC200] =	vst v63  }
0x64: {  	s21 =	simm.s32 @!p4 $0x2;
	s15 =	sshll.u32 @!p4 s19, $0xE;
	s16 =	sand.u32 @!p4 $0x1FFFF800, s9  }
0x65: {  	p3 =	sgt.u32 s31, $0x4E1;
	s17 =	smov.u32 s10;
	_ =	swait.ge @!p4 [sflag:s21], $0x4000  }
0x66: {  	s15 =	sor.u32 @!p4 $0x200, s15;
	s14 =	rddreg [dreg:$0x8];
	[sflag:s21] =	ssyncset.done @!p4 $0x0  }
0x67: {  	[sflag:s21] =	ssyncadd.s32 @!p4 $0xFFFFC000;
	s14 =	sadd.s32 @!p4 s14, s16;
	s16 =	simm.s32 @!p4 $0x0  }
0x68: {  	[hbm4b:s14+s16] =	stream.linear.scatter @!p4 [tilespmem:s15], [sflag:$0x3], $0x4000, $0x38;
	[tilespmem:$0xC200] =	vst v63  }
0x69: {  	s14 =	simm.s32 $0x10;
	s15 =	sadd.s32 $0x8000, s9;
	s16 =	simm.s32 $0x3  }
.LBB2_3:
0x6a: {  	s19 =	sshll.u32 @!p3 s19, $0x7;
	s20 =	simm.s32 @!p3 $0x0;
	s21 =	smov.u32 s14  }
0x6b: {  	s14 =	sadd.s32 $0x10, s14;
	s22 =	smov.u32 s17;
	s17 =	smov.u32 s18  }
0x6c: {  	[tilespmem:s19], [sflag:$0x1] =	stream.linear.gather @!p3 [hbm4b:s22+s20], $0x80, $0x38;
	[tilespmem:$0xC200] =	vst v63  }
0x6d: {  	s31 =	smul.u32 $0xAB, s16;
	s18 =	sadd.s32 $0x100, s18;
	s19 =	sadd.s32 $0xFFFFFFFE, s16  }
0x6e: {  	p3 =	sge.u32 s21, s5;
	p4 =	seq.s32 s21, $0x0;
	s21 =	sadd.s32 s21, s1  }
0x6f: {  	p5 =	slt.u32 @!p3 s19, $0x3;
	s22 =	simm.s32 @!p3 $0x80;
	s23 =	sadd.s32 $0xFFFFFEAA, s31  }
0x70: {  	s20 =	sshrl.u32 s31, $0x9;
	s25 =	sadd.s32 $0xFFFFFFF0, s21;
	p5 =	por p5, p3  }
0x71: {  	s23 =	sshrl.u32 s23, $0x9;
	s20 =	sand.u32 $0x7F, s20;
	s24 =	simm.s32 @!p5 $0x3  }
0x72: {  	s23 =	sand.u32 $0x7F, s23;
	s20 =	smul.u32 $0x3, s20;
	_ =	swait.ge @!p5 [sflag:s24], $0x4000  }
0x73: {  	s21 =	sadd.s32 $0x20, s21;
	s23 =	smul.u32 $0x3, s23;
	[sflag:s24] =	ssyncset.done @!p5 $0x0  }
0x74: {  	s20 =	ssub.s32 s16, s20;
	s16 =	sadd.s32 $0x1, s16;
	[sflag:s24] =	ssyncadd.s32 @!p5 $0xFFFFC000  }
0x75: {  	s24 =	simm.s32 @!p3 $0x1;
	s23 =	ssub.s32 s19, s23;
	s19 =	sand.u32 $0xFF, s20  }
0x76: {  	p5 =	sgt.s32 @!p4 s25, $0x4E1;
	_ =	swait.ge @!p3 [sflag:s24], $0x80;
	s23 =	sand.u32 $0xFF, s23  }
0x77: {  	p4 =	por p5, p4;
	p5 =	sne.s32 s14, $0x500;
	[sflag:s24] =	ssyncset.done @!p3 $0x0  }
0x78: {  	[sflag:s24] =	ssyncadd.s32 @!p3 $0xFFFFFF80;
	s24 =	sshll.u32 @!p3 s23, $0x7;
	s23 =	sshll.u32 @!p3 s23, $0xE  }
0x79: {  	s20 =	rddreg [dreg:$0x7];
	s26 =	sshll.u32 @!p4 s19, $0xE;
	s23 =	sor.u32 @!p3 $0x200, s23  }
0x7a: {  	[tilespmem:s23], [sflag:$0x2] =	stream.indirect.gather @!p3 [hbm4b:s20+s22], $0x80, s24, s22, $0xb8;
	[tilespmem:$0xC200] =	vst v63  }
.Ltmp6:
0x7b: {  	s25 =	simm.s32 @!p4 $0x2;
	s20 =	sor.u32 @!p4 $0x200, s26;
	(pc) =	sbr.rel @p5 .LBB2_3-.Ltmp6, $4  }
0x7c: {  	s23 =	sand.u32 @!p4 $0x1FFFF800, s15;
	s15 =	sadd.s32 $0x8000, s15;
	_ =	swait.ge @!p4 [sflag:s25], $0x4000  }
0x7d: {  	p3 =	sgt.u32 s21, $0x4E1;
	[sflag:s25] =	ssyncset.done @!p4 $0x0;
	s22 =	rddreg [dreg:$0x8]  }
0x7e: {  	[sflag:s25] =	ssyncadd.s32 @!p4 $0xFFFFC000;
	s22 =	sadd.s32 @!p4 s22, s23;
	s23 =	simm.s32 @!p4 $0x0  }
0x7f: {  	[hbm4b:s22+s23] =	stream.linear.scatter @!p4 [tilespmem:s20], [sflag:$0x3], $0x4000, $0x38;
	[tilespmem:$0xC200] =	vst v63  }
0x80: {  	s14 =	sshll.u32 @!p3 s19, $0x7;
	s15 =	simm.s32 @!p3 $0x0  }
0x81: {  	[tilespmem:s14], [sflag:$0x1] =	stream.linear.gather @!p3 [hbm4b:s17+s15], $0x80, $0x38;
	[tilespmem:$0xC200] =	vst v63  }
0x82: {  	s14 =	simm.s32 @!p1 $0x3  }
0x83: {  	_ =	swait.ge @!p1 [sflag:s14], $0x4000  }
0x84: {  	[sflag:s14] =	ssyncset.done @!p1 $0x0  }
0x85: {  	[sflag:s14] =	ssyncadd.s32 @!p1 $0xFFFFC000  }
0x86: {  	_ =	swait.ge [sflag:s13], $0x4000  }
.Ltmp7:
0x87: {  	[sflag:s13] =	ssyncset.done $0x0;
	(pc) =	sbr.rel @p1 .LBB2_8-.Ltmp7, $4  }
.Ltmp8:
0x88: {  	[sflag:s13] =	ssyncadd.s32 $0xFFFFC000;
	(pc) =	sbr.rel @!p1 .LBB2_9-.Ltmp8, $4  }
0x89: {  	_ =	swait.ge [sflag:s13], $0x4000  }
0x8a: {  	[sflag:s13] =	ssyncset.done $0x0  }
0x8b: {  	[sflag:s13] =	ssyncadd.s32 $0xFFFFC000  }
0x8c: {  	_ = 	snop  }
.LBB2_10:
0x8d: {  	_ =	sfence.sel $0x180000  }
0x8e: {  	[bflag:$0x0] =	sbarrier.arrive $0xFFFF  }
0x8f: {  	p0 =	sne.s32 s1, $0x0;
	_ =	strace $0x90000047  }
0x90: {  	s0 =	sadd.s32 @!p0 $0x100000, s0;
	[bflag:$0x2] =	sbarrier.arrive $0xFFFF  }
0x91: {  	[sflag:s0] =	ssyncadd.tile.s32 @!p0 $0x1;
	_ =	shalt  }
.Lfunc_end2:
_tile_overlayer_lowered:
.L_overlay_start_2:
0x92: {  	(tag) =	ssettag $0x2  }
0x93: {  	s0 =	rddreg [dreg:$0x0];
	s2 =	stileid.u32  }
0x94: {  	s1 =	rddreg [dreg:$0x1];
	p0 =	sne.s32 s2, $0x0  }
0x95: {  	s3 =	rddreg [dreg:$0x2];
	[bflag:$0x3] =	sbarrier.arrive $0xFFFF;
	s2 =	simm.s32 @!p0 $0x1C04  }
0x96: {  	[timem:s3], [sflag:s2] =	dma.local @!p0 [hbm:s0], s1  }
0x97: {  	s0 =	simm.s32 @!p0 $0x4  }
0x98: {  	_ =	swait.ge @!p0 [sflag:s0], s1  }
0x99: {  	s1 =	ssub.s32 @!p0 $0x0, s1;
	[sflag:s0] =	ssyncset.done @!p0 $0x0  }
0x9a: {  	[sflag:s0] =	ssyncadd.s32 @!p0 s1  }
0x9b: {  	[bflag:$0x3] =	sbarrier.arrive $0xFFFF  }
0x9c: {  	_ =	shalt  }

</sc_bundles>
